<compile_context>
chip_gen: v7x
topology: tpu7x:2x2x1
jax: 0.10.2.dev20260603
libtpu: 0.0.44.dev20260713+nightly
codegen_flags: <defaults>
</compile_context>

<pallas_src>
import functools

import jax
import jax.numpy as jnp
from jax import lax
from jax.experimental import pallas as pl
from jax.experimental.pallas import tpu as pltpu
from jax.experimental.pallas import tpu_sc as plsc

NUM_CLASSES = 32
TABLE = NUM_CLASSES * NUM_CLASSES
LANES = 16


@functools.cache
def _make_lookup(n_rows: int, n_cols: int, rows_per_chunk: int, unroll: int):
    info = plsc.get_sparse_core_info()
    nc, ns = info.num_cores, info.num_subcores
    nw = nc * ns
    assert n_cols % (nw * 128) == 0
    cols_per_worker = n_cols // nw
    chunk_rows = [8, 32] + [rows_per_chunk] * ((n_rows - 80) // rows_per_chunk) + [32, 8]
    assert sum(chunk_rows) == n_rows
    assert all(r % 8 == 0 and r <= rows_per_chunk for r in chunk_rows)
    chunk_base = [sum(chunk_rows[:k]) for k in range(len(chunk_rows))]
    n_chunks = len(chunk_rows)
    assert n_chunks >= 2

    mesh = plsc.VectorSubcoreMesh(core_axis_name="c", subcore_axis_name="s")

    @functools.partial(
        pl.kernel,
        out_type=jax.ShapeDtypeStruct((n_rows, n_cols), jnp.float32),
        mesh=mesh,
        compiler_params=pltpu.CompilerParams(
            needs_layout_passes=False, use_tc_tiling_on_sc=True),
        scratch_types=[
            pltpu.VMEM((NUM_CLASSES, NUM_CLASSES), jnp.float32),
            pltpu.VMEM((TABLE,), jnp.float32),
            pltpu.VMEM((rows_per_chunk, cols_per_worker), jnp.int32),
            pltpu.VMEM((rows_per_chunk, cols_per_worker), jnp.int32),
            pltpu.VMEM((rows_per_chunk, cols_per_worker), jnp.int32),
            pltpu.VMEM((rows_per_chunk, cols_per_worker), jnp.int32),
            pltpu.VMEM((rows_per_chunk, cols_per_worker), jnp.float32),
            pltpu.VMEM((rows_per_chunk, cols_per_worker), jnp.float32),
            pltpu.SemaphoreType.DMA,
            pltpu.SemaphoreType.DMA,
            pltpu.SemaphoreType.DMA,
            pltpu.SemaphoreType.DMA,
            pltpu.SemaphoreType.DMA,
            pltpu.SemaphoreType.DMA,
        ],
    )
    def lookup(ci_hbm, cj_hbm, lg_hbm, out_hbm,
               lg_v, tab_v, i0, i1, j0, j1, o0, o1,
               si0, si1, sj0, sj1, so0, so1):
        wid = lax.axis_index("s") * nc + lax.axis_index("c")
        w_col = wid * cols_per_worker
        ibufs, jbufs, obufs = (i0, i1), (j0, j1), (o0, o1)
        isems, jsems, osems = (si0, si1), (sj0, sj1), (so0, so1)

        def start_in(c):
            s = c % 2
            rows = chunk_rows[c]
            sl = (pl.ds(chunk_base[c], rows), pl.ds(w_col, cols_per_worker))
            bsl = pl.ds(0, rows)
            di = pltpu.async_copy(ci_hbm.at[sl], ibufs[s].at[bsl], isems[s])
            dj = pltpu.async_copy(cj_hbm.at[sl], jbufs[s].at[bsl], jsems[s])
            return di, dj

        in_descs = {0: start_in(0), 1: start_in(1)}

        pltpu.sync_copy(lg_hbm, lg_v)

        @plsc.parallel_loop(0, TABLE, LANES)
        def build(base):
            p = lax.iota(jnp.int32, LANES) + base
            r = p >> 5
            c = p & (NUM_CLASSES - 1)
            a = plsc.load_gather(lg_v, [r, c])
            b = plsc.load_gather(lg_v, [c, r])
            x = (a + b) * 0.5
            tab_v[pl.ds(base, LANES)] = 1.0 / (1.0 + jnp.exp(-x))

        vecs_per_row = cols_per_worker // LANES
        out_descs = {}
        for c in range(n_chunks):
            s = c % 2
            di, dj = in_descs[c]
            di.wait()
            dj.wait()
            if c >= 2:
                out_descs[c - 2].wait()
            ib, jb, ob = ibufs[s], jbufs[s], obufs[s]

            def gath(k, ib=ib, jb=jb, ob=ob):
                r = k // vecs_per_row
                off = (k % vecs_per_row) * LANES
                iv = ib[r, pl.ds(off, LANES)]
                jv = jb[r, pl.ds(off, LANES)]
                idx = iv * NUM_CLASSES + jv
                ob[r, pl.ds(off, LANES)] = plsc.load_gather(tab_v, [idx])

            n_vecs = chunk_rows[c] * vecs_per_row
            plsc.parallel_loop(0, n_vecs, 1, unroll=unroll)(gath)

            out_descs[c] = pltpu.async_copy(
                ob.at[pl.ds(0, chunk_rows[c])],
                out_hbm.at[pl.ds(chunk_base[c], chunk_rows[c]),
                           pl.ds(w_col, cols_per_worker)],
                osems[s])
            if c + 2 < n_chunks:
                in_descs[c + 2] = start_in(c + 2)
        out_descs[n_chunks - 2].wait()
        out_descs[n_chunks - 1].wait()

    return lookup


def kernel(class_i, class_j, compat_logits):
    n_rows, n_cols = class_i.shape
    ci = class_i.astype(jnp.int32).T
    cj = class_j.astype(jnp.int32).T
    lg = compat_logits.astype(jnp.float32)
    out_t = _make_lookup(n_cols, n_rows, 40, 4)(ci, cj, lg)
    return out_t.T

# --- scband reference (transcript-rebuilt; emitter-appended) ---
"""Pipeline reference for scband-class-compatibility-76227079569865 (READ-ONLY COPY).

The authoritative reference and input builder live on the scoring server;
editing this copy changes nothing except your own understanding.
"""

import jax, jax.numpy as jnp
import numpy as np

NUM_CLASSES = 32
SPARSITY = 0.3
BATCH = 16384
HIST = 200


def setup_inputs(seed: int = 0) -> dict:
    key = jax.random.key(seed)
    k1, k2, k3 = jax.random.split(key, 3)
    class_i = jax.random.randint(k1, (BATCH, HIST), 0, NUM_CLASSES, dtype=jnp.int64 if jax.config.jax_enable_x64 else jnp.int32)
    class_j = jax.random.randint(k2, (BATCH, HIST), 0, NUM_CLASSES, dtype=jnp.int64 if jax.config.jax_enable_x64 else jnp.int32)
    init_val = -np.log(1.0 / SPARSITY - 1.0)
    compat_logits = jax.random.normal(k3, (NUM_CLASSES, NUM_CLASSES), dtype=jnp.float32) * 0.5 + init_val
    return {"class_i": class_i, "class_j": class_j, "compat_logits": compat_logits}


def reference(class_i, class_j, compat_logits):
    # get_compatibility_matrix: symmetrize logits then sigmoid
    logits = (compat_logits + compat_logits.T) / 2.0
    compat = jax.nn.sigmoid(logits)
    # gather compatibility scores at (class_i, class_j) pairs
    return compat[class_i, class_j]

if __name__ == "__main__":
    import jax
    _d = setup_inputs()
    print(jax.jit(kernel)(*tuple(_d.values())))

</pallas_src>

<mosaic_0001>
#map = affine_map<(d0, d1) -> (0, 0)>
module attributes {stable_mosaic.version = 14 : i64} {
  func.func @lookup(%arg0: i32, %arg1: i32, %arg2: memref<200x16384xi32, #tpu.memory_space<hbm>>, %arg3: memref<200x16384xi32, #tpu.memory_space<hbm>>, %arg4: memref<32x32xf32, #tpu.memory_space<hbm>>, %arg5: memref<200x16384xf32, #tpu.memory_space<hbm>>, %arg6: memref<32x32xf32, #tpu.memory_space<vmem>>, %arg7: memref<1024xf32, #tpu.memory_space<vmem>>, %arg8: memref<40x512xi32, #tpu.memory_space<vmem>>, %arg9: memref<40x512xi32, #tpu.memory_space<vmem>>, %arg10: memref<40x512xi32, #tpu.memory_space<vmem>>, %arg11: memref<40x512xi32, #tpu.memory_space<vmem>>, %arg12: memref<40x512xf32, #tpu.memory_space<vmem>>, %arg13: memref<40x512xf32, #tpu.memory_space<vmem>>, %arg14: memref<!tpu.dma_semaphore, #tpu.memory_space<semaphore_mem>>, %arg15: memref<!tpu.dma_semaphore, #tpu.memory_space<semaphore_mem>>, %arg16: memref<!tpu.dma_semaphore, #tpu.memory_space<semaphore_mem>>, %arg17: memref<!tpu.dma_semaphore, #tpu.memory_space<semaphore_mem>>, %arg18: memref<!tpu.dma_semaphore, #tpu.memory_space<semaphore_mem>>, %arg19: memref<!tpu.dma_semaphore, #tpu.memory_space<semaphore_mem>>) attributes {dimension_semantics = [#tpu.dimension_semantics<core_parallel>, #tpu.dimension_semantics<subcore_parallel>], iteration_bounds = array<i64: 2, 16>, scalar_prefetch = 0 : i64, scratch_operands = 14 : i64, tpu.core_type = #tpu.core_type<sc_vector_subcore>, window_params = [{transform_indices = #map}, {transform_indices = #map}, {transform_indices = #map}, {transform_indices = #map}]} {
    %mul3A = arith.constant 2 : i32
    %mul3A_0 = arith.muli %arg1, %mul3A : i32
    %add3A = arith.addi %mul3A_0, %arg0 : i32
    %mul3A_1 = arith.constant 512 : i32
    %mul3A_2 = arith.muli %add3A, %mul3A_1 : i32
    %dma_start3A = arith.constant 0 : i32
    %dma_start3A_3 = arith.constant 0 : i32
    %dma_start3A_4 = tpu.memref_slice %arg8[%dma_start3A, %dma_start3A_3] : memref<40x512xi32, #tpu.memory_space<vmem>> -> memref<8x512xi32, #tpu.memory_space<vmem>>
    %dma_start3A_5 = arith.constant 0 : i32
    %dma_start3A_6 = tpu.memref_slice %arg2[%dma_start3A_5, %mul3A_2] : memref<200x16384xi32, #tpu.memory_space<hbm>> -> memref<8x512xi32, #tpu.memory_space<hbm>>
    %dma_start3A_7 = arith.constant 0 : i32
    %dma_start3A_8 = arith.constant 0 : i32
    %dma_start3A_9 = tpu.memref_slice %arg8[%dma_start3A_7, %dma_start3A_8] : memref<40x512xi32, #tpu.memory_space<vmem>> -> memref<8x512xi32, #tpu.memory_space<vmem>>
    %dma_start3A_10 = arith.constant 0 : i32
    %dma_start3A_11 = tpu.memref_slice %arg2[%dma_start3A_10, %mul3A_2] : memref<200x16384xi32, #tpu.memory_space<hbm>> -> memref<8x512xi32, #tpu.memory_space<hbm>>
    tpu.enqueue_dma source(%dma_start3A_11 : memref<8x512xi32, #tpu.memory_space<hbm>>) target(%dma_start3A_9 : memref<8x512xi32, #tpu.memory_space<vmem>>) target_semaphore(%arg14 : memref<!tpu.dma_semaphore, #tpu.memory_space<semaphore_mem>>)
    %dma_start3A_12 = arith.constant 0 : i32
    %dma_start3A_13 = arith.constant 0 : i32
    %dma_start3A_14 = tpu.memref_slice %arg10[%dma_start3A_12, %dma_start3A_13] : memref<40x512xi32, #tpu.memory_space<vmem>> -> memref<8x512xi32, #tpu.memory_space<vmem>>
    %dma_start3A_15 = arith.constant 0 : i32
    %dma_start3A_16 = tpu.memref_slice %arg3[%dma_start3A_15, %mul3A_2] : memref<200x16384xi32, #tpu.memory_space<hbm>> -> memref<8x512xi32, #tpu.memory_space<hbm>>
    %dma_start3A_17 = arith.constant 0 : i32
    %dma_start3A_18 = arith.constant 0 : i32
    %dma_start3A_19 = tpu.memref_slice %arg10[%dma_start3A_17, %dma_start3A_18] : memref<40x512xi32, #tpu.memory_space<vmem>> -> memref<8x512xi32, #tpu.memory_space<vmem>>
    %dma_start3A_20 = arith.constant 0 : i32
    %dma_start3A_21 = tpu.memref_slice %arg3[%dma_start3A_20, %mul3A_2] : memref<200x16384xi32, #tpu.memory_space<hbm>> -> memref<8x512xi32, #tpu.memory_space<hbm>>
    tpu.enqueue_dma source(%dma_start3A_21 : memref<8x512xi32, #tpu.memory_space<hbm>>) target(%dma_start3A_19 : memref<8x512xi32, #tpu.memory_space<vmem>>) target_semaphore(%arg16 : memref<!tpu.dma_semaphore, #tpu.memory_space<semaphore_mem>>)
    %dma_start3A_22 = arith.constant 0 : i32
    %dma_start3A_23 = arith.constant 0 : i32
    %dma_start3A_24 = tpu.memref_slice %arg9[%dma_start3A_22, %dma_start3A_23] : memref<40x512xi32, #tpu.memory_space<vmem>> -> memref<32x512xi32, #tpu.memory_space<vmem>>
    %dma_start3A_25 = arith.constant 8 : i32
    %dma_start3A_26 = tpu.memref_slice %arg2[%dma_start3A_25, %mul3A_2] : memref<200x16384xi32, #tpu.memory_space<hbm>> -> memref<32x512xi32, #tpu.memory_space<hbm>>
    %dma_start3A_27 = arith.constant 0 : i32
    %dma_start3A_28 = arith.constant 0 : i32
    %dma_start3A_29 = tpu.memref_slice %arg9[%dma_start3A_27, %dma_start3A_28] : memref<40x512xi32, #tpu.memory_space<vmem>> -> memref<32x512xi32, #tpu.memory_space<vmem>>
    %dma_start3A_30 = arith.constant 8 : i32
    %dma_start3A_31 = tpu.memref_slice %arg2[%dma_start3A_30, %mul3A_2] : memref<200x16384xi32, #tpu.memory_space<hbm>> -> memref<32x512xi32, #tpu.memory_space<hbm>>
    tpu.enqueue_dma source(%dma_start3A_31 : memref<32x512xi32, #tpu.memory_space<hbm>>) target(%dma_start3A_29 : memref<32x512xi32, #tpu.memory_space<vmem>>) target_semaphore(%arg15 : memref<!tpu.dma_semaphore, #tpu.memory_space<semaphore_mem>>)
    %dma_start3A_32 = arith.constant 0 : i32
    %dma_start3A_33 = arith.constant 0 : i32
    %dma_start3A_34 = tpu.memref_slice %arg11[%dma_start3A_32, %dma_start3A_33] : memref<40x512xi32, #tpu.memory_space<vmem>> -> memref<32x512xi32, #tpu.memory_space<vmem>>
    %dma_start3A_35 = arith.constant 8 : i32
    %dma_start3A_36 = tpu.memref_slice %arg3[%dma_start3A_35, %mul3A_2] : memref<200x16384xi32, #tpu.memory_space<hbm>> -> memref<32x512xi32, #tpu.memory_space<hbm>>
    %dma_start3A_37 = arith.constant 0 : i32
    %dma_start3A_38 = arith.constant 0 : i32
    %dma_start3A_39 = tpu.memref_slice %arg11[%dma_start3A_37, %dma_start3A_38] : memref<40x512xi32, #tpu.memory_space<vmem>> -> memref<32x512xi32, #tpu.memory_space<vmem>>
    %dma_start3A_40 = arith.constant 8 : i32
    %dma_start3A_41 = tpu.memref_slice %arg3[%dma_start3A_40, %mul3A_2] : memref<200x16384xi32, #tpu.memory_space<hbm>> -> memref<32x512xi32, #tpu.memory_space<hbm>>
    tpu.enqueue_dma source(%dma_start3A_41 : memref<32x512xi32, #tpu.memory_space<hbm>>) target(%dma_start3A_39 : memref<32x512xi32, #tpu.memory_space<vmem>>) target_semaphore(%arg17 : memref<!tpu.dma_semaphore, #tpu.memory_space<semaphore_mem>>)
    "tpu.region"() ({
      %run_scoped3A = tpu.sem_alloc : memref<!tpu.dma_semaphore, #tpu.memory_space<semaphore_mem>>
      tpu.enqueue_dma source(%arg4 : memref<32x32xf32, #tpu.memory_space<hbm>>) target(%arg6 : memref<32x32xf32, #tpu.memory_space<vmem>>) target_semaphore(%run_scoped3A : memref<!tpu.dma_semaphore, #tpu.memory_space<semaphore_mem>>)
      tpu.wait_dma2 semaphore(%run_scoped3A : memref<!tpu.dma_semaphore, #tpu.memory_space<semaphore_mem>>) src(%arg4 : memref<32x32xf32, #tpu.memory_space<hbm>>) dst(%arg6 : memref<32x32xf32, #tpu.memory_space<vmem>>)
      tpu.yield
    }) : () -> ()
    %parallel_loop3A = arith.constant 0 : i32
    %parallel_loop3A_42 = arith.constant 1024 : i32
    %parallel_loop3A_43 = arith.constant 16 : i32
    scf.for %parallel_loop3A_444 = %parallel_loop3A to %parallel_loop3A_42 step %parallel_loop3A_43  : i32 {
      %parallel_loop3A_445 = tpu.iota {dimensions = array<i32: 0>} : vector<16xi32>
      %parallel_loop3A_446 = vector.broadcast %parallel_loop3A_444 : i32 to vector<16xi32>
      %parallel_loop3A_447 = arith.addi %parallel_loop3A_445, %parallel_loop3A_446 : vector<16xi32>
      %parallel_loop3A_448 = arith.constant 5 : i32
      %parallel_loop3A_449 = vector.broadcast %parallel_loop3A_448 : i32 to vector<16xi32>
      %parallel_loop3A_450 = arith.shrsi %parallel_loop3A_447, %parallel_loop3A_449 : vector<16xi32>
      %parallel_loop3A_451 = arith.constant 31 : i32
      %parallel_loop3A_452 = vector.broadcast %parallel_loop3A_451 : i32 to vector<16xi32>
      %parallel_loop3A_453 = arith.andi %parallel_loop3A_447, %parallel_loop3A_452 : vector<16xi32>
      %parallel_loop3A_454 = tpu.vector_load_idx %arg6[%parallel_loop3A_450, %parallel_loop3A_453] : memref<32x32xf32, #tpu.memory_space<vmem>>[vector<16xi32>, vector<16xi32>], vector<16xf32>,
      %parallel_loop3A_455 = tpu.vector_load_idx %arg6[%parallel_loop3A_453, %parallel_loop3A_450] : memref<32x32xf32, #tpu.memory_space<vmem>>[vector<16xi32>, vector<16xi32>], vector<16xf32>,
      %parallel_loop3A_456 = arith.addf %parallel_loop3A_454, %parallel_loop3A_455 : vector<16xf32>
      %parallel_loop3A_457 = arith.constant 5.000000e-01 : f32
      %parallel_loop3A_458 = vector.broadcast %parallel_loop3A_457 : f32 to vector<16xf32>
      %parallel_loop3A_459 = arith.mulf %parallel_loop3A_456, %parallel_loop3A_458 : vector<16xf32>
      %parallel_loop3A_460 = arith.constant 0.000000e+00 : f32
      %parallel_loop3A_461 = vector.broadcast %parallel_loop3A_460 : f32 to vector<16xf32>
      %parallel_loop3A_462 = arith.subf %parallel_loop3A_461, %parallel_loop3A_459 : vector<16xf32>
      %parallel_loop3A_463 = math.exp %parallel_loop3A_462 : vector<16xf32>
      %parallel_loop3A_464 = arith.constant 1.000000e+00 : f32
      %parallel_loop3A_465 = vector.broadcast %parallel_loop3A_464 : f32 to vector<16xf32>
      %parallel_loop3A_466 = arith.addf %parallel_loop3A_465, %parallel_loop3A_463 : vector<16xf32>
      %parallel_loop3A_467 = arith.constant 1.000000e+00 : f32
      %parallel_loop3A_468 = vector.broadcast %parallel_loop3A_467 : f32 to vector<16xf32>
      %parallel_loop3A_469 = arith.divf %parallel_loop3A_468, %parallel_loop3A_466 : vector<16xf32>
      %parallel_loop3A_470 = arith.index_cast %parallel_loop3A_444 : i32 to index
      %parallel_loop3A_471 = tpu.vector_load %arg7[%parallel_loop3A_470] {strides = array<i32>} : memref<1024xf32, #tpu.memory_space<vmem>>, vector<16xf32>,
      tpu.vector_store %arg7[%parallel_loop3A_470], %parallel_loop3A_469 {strides = array<i32>} : memref<1024xf32, #tpu.memory_space<vmem>>, vector<16xf32>,
    } {sc.loop_unroll_factor = 1 : i64, sc.parallel_access}
    %dma_wait3A = arith.constant 0 : i32
    %dma_wait3A_44 = arith.constant 0 : i32
    %dma_wait3A_45 = tpu.memref_slice %arg8[%dma_wait3A, %dma_wait3A_44] : memref<40x512xi32, #tpu.memory_space<vmem>> -> memref<8x512xi32, #tpu.memory_space<vmem>>
    %dma_wait3A_46 = arith.constant 0 : i32
    %dma_wait3A_47 = tpu.memref_slice %arg2[%dma_wait3A_46, %mul3A_2] : memref<200x16384xi32, #tpu.memory_space<hbm>> -> memref<8x512xi32, #tpu.memory_space<hbm>>
    %dma_wait3A_48 = arith.constant 0 : i32
    %dma_wait3A_49 = arith.constant 0 : i32
    %dma_wait3A_50 = tpu.memref_slice %arg8[%dma_wait3A_48, %dma_wait3A_49] : memref<40x512xi32, #tpu.memory_space<vmem>> -> memref<8x512xi32, #tpu.memory_space<vmem>>
    %dma_wait3A_51 = arith.constant 0 : i32
    %dma_wait3A_52 = tpu.memref_slice %arg2[%dma_wait3A_51, %mul3A_2] : memref<200x16384xi32, #tpu.memory_space<hbm>> -> memref<8x512xi32, #tpu.memory_space<hbm>>
    tpu.wait_dma2 semaphore(%arg14 : memref<!tpu.dma_semaphore, #tpu.memory_space<semaphore_mem>>) src(%dma_wait3A_52 : memref<8x512xi32, #tpu.memory_space<hbm>>) dst(%dma_wait3A_50 : memref<8x512xi32, #tpu.memory_space<vmem>>)
    %dma_wait3A_53 = arith.constant 0 : i32
    %dma_wait3A_54 = arith.constant 0 : i32
    %dma_wait3A_55 = tpu.memref_slice %arg10[%dma_wait3A_53, %dma_wait3A_54] : memref<40x512xi32, #tpu.memory_space<vmem>> -> memref<8x512xi32, #tpu.memory_space<vmem>>
    %dma_wait3A_56 = arith.constant 0 : i32
    %dma_wait3A_57 = tpu.memref_slice %arg3[%dma_wait3A_56, %mul3A_2] : memref<200x16384xi32, #tpu.memory_space<hbm>> -> memref<8x512xi32, #tpu.memory_space<hbm>>
    %dma_wait3A_58 = arith.constant 0 : i32
    %dma_wait3A_59 = arith.constant 0 : i32
    %dma_wait3A_60 = tpu.memref_slice %arg10[%dma_wait3A_58, %dma_wait3A_59] : memref<40x512xi32, #tpu.memory_space<vmem>> -> memref<8x512xi32, #tpu.memory_space<vmem>>
    %dma_wait3A_61 = arith.constant 0 : i32
    %dma_wait3A_62 = tpu.memref_slice %arg3[%dma_wait3A_61, %mul3A_2] : memref<200x16384xi32, #tpu.memory_space<hbm>> -> memref<8x512xi32, #tpu.memory_space<hbm>>
    tpu.wait_dma2 semaphore(%arg16 : memref<!tpu.dma_semaphore, #tpu.memory_space<semaphore_mem>>) src(%dma_wait3A_62 : memref<8x512xi32, #tpu.memory_space<hbm>>) dst(%dma_wait3A_60 : memref<8x512xi32, #tpu.memory_space<vmem>>)
    %parallel_loop3A_63 = arith.constant 0 : i32
    %parallel_loop3A_64 = arith.constant 256 : i32
    %parallel_loop3A_65 = arith.constant 1 : i32
    scf.for %parallel_loop3A_444 = %parallel_loop3A_63 to %parallel_loop3A_64 step %parallel_loop3A_65  : i32 {
      %parallel_loop3A_445 = arith.constant 32 : i32
      %parallel_loop3A_446 = arith.divsi %parallel_loop3A_444, %parallel_loop3A_445 : i32
      %parallel_loop3A_447 = arith.constant 0 : i32
      %parallel_loop3A_448 = arith.cmpi sgt, %parallel_loop3A_444, %parallel_loop3A_447 : i32
      %parallel_loop3A_449 = arith.extui %parallel_loop3A_448 : i1 to i32
      %parallel_loop3A_450 = arith.constant 0 : i32
      %parallel_loop3A_451 = arith.cmpi slt, %parallel_loop3A_444, %parallel_loop3A_450 : i32
      %parallel_loop3A_452 = arith.extui %parallel_loop3A_451 : i1 to i32
      %parallel_loop3A_453 = arith.subi %parallel_loop3A_449, %parallel_loop3A_452 : i32
      %parallel_loop3A_454 = arith.constant 0 : i32
      %parallel_loop3A_455 = arith.cmpi sgt, %parallel_loop3A_445, %parallel_loop3A_454 : i32
      %parallel_loop3A_456 = arith.extui %parallel_loop3A_455 : i1 to i32
      %parallel_loop3A_457 = arith.constant 0 : i32
      %parallel_loop3A_458 = arith.cmpi slt, %parallel_loop3A_445, %parallel_loop3A_457 : i32
      %parallel_loop3A_459 = arith.extui %parallel_loop3A_458 : i1 to i32
      %parallel_loop3A_460 = arith.subi %parallel_loop3A_456, %parallel_loop3A_459 : i32
      %parallel_loop3A_461 = arith.cmpi ne, %parallel_loop3A_453, %parallel_loop3A_460 : i32
      %parallel_loop3A_462 = arith.remsi %parallel_loop3A_444, %parallel_loop3A_445 : i32
      %parallel_loop3A_463 = arith.constant 0 : i32
      %parallel_loop3A_464 = arith.cmpi ne, %parallel_loop3A_462, %parallel_loop3A_463 : i32
      %parallel_loop3A_465 = arith.andi %parallel_loop3A_461, %parallel_loop3A_464 : i1
      %parallel_loop3A_466 = arith.constant 1 : i32
      %parallel_loop3A_467 = arith.subi %parallel_loop3A_446, %parallel_loop3A_466 : i32
      %parallel_loop3A_468 = arith.select %parallel_loop3A_465, %parallel_loop3A_467, %parallel_loop3A_446 : i32
      %parallel_loop3A_469 = arith.constant 32 : i32
      %parallel_loop3A_470 = arith.constant 0 : i32
      %parallel_loop3A_471 = arith.cmpi eq, %parallel_loop3A_469, %parallel_loop3A_470 : i32
      %parallel_loop3A_472 = arith.constant 1 : i32
      %parallel_loop3A_473 = arith.select %parallel_loop3A_471, %parallel_loop3A_472, %parallel_loop3A_469 : i32
      %parallel_loop3A_474 = arith.remsi %parallel_loop3A_444, %parallel_loop3A_473 : i32
      %parallel_loop3A_475 = arith.constant 0 : i32
      %parallel_loop3A_476 = arith.cmpi ne, %parallel_loop3A_474, %parallel_loop3A_475 : i32
      %parallel_loop3A_477 = arith.constant 0 : i32
      %parallel_loop3A_478 = arith.cmpi slt, %parallel_loop3A_474, %parallel_loop3A_477 : i32
      %parallel_loop3A_479 = arith.constant 0 : i32
      %parallel_loop3A_480 = arith.cmpi slt, %parallel_loop3A_473, %parallel_loop3A_479 : i32
      %parallel_loop3A_481 = arith.xori %parallel_loop3A_478, %parallel_loop3A_480 : i1
      %parallel_loop3A_482 = arith.andi %parallel_loop3A_481, %parallel_loop3A_476 : i1
      %parallel_loop3A_483 = arith.addi %parallel_loop3A_474, %parallel_loop3A_473 : i32
      %parallel_loop3A_484 = arith.select %parallel_loop3A_482, %parallel_loop3A_483, %parallel_loop3A_474 : i32
      %parallel_loop3A_485 = arith.constant 16 : i32
      %parallel_loop3A_486 = arith.muli %parallel_loop3A_484, %parallel_loop3A_485 : i32
      %parallel_loop3A_487 = arith.index_cast %parallel_loop3A_468 : i32 to index
      %parallel_loop3A_488 = arith.index_cast %parallel_loop3A_486 : i32 to index
      %parallel_loop3A_489 = tpu.vector_load %arg8[%parallel_loop3A_487, %parallel_loop3A_488] {strides = array<i32>} : memref<40x512xi32, #tpu.memory_space<vmem>>, vector<16xi32>,
      %parallel_loop3A_490 = arith.index_cast %parallel_loop3A_468 : i32 to index
      %parallel_loop3A_491 = arith.index_cast %parallel_loop3A_486 : i32 to index
      %parallel_loop3A_492 = tpu.vector_load %arg10[%parallel_loop3A_490, %parallel_loop3A_491] {strides = array<i32>} : memref<40x512xi32, #tpu.memory_space<vmem>>, vector<16xi32>,
      %parallel_loop3A_493 = arith.constant 32 : i32
      %parallel_loop3A_494 = vector.broadcast %parallel_loop3A_493 : i32 to vector<16xi32>
      %parallel_loop3A_495 = arith.muli %parallel_loop3A_489, %parallel_loop3A_494 : vector<16xi32>
      %parallel_loop3A_496 = arith.addi %parallel_loop3A_495, %parallel_loop3A_492 : vector<16xi32>
      %parallel_loop3A_497 = tpu.vector_load_idx %arg7[%parallel_loop3A_496] : memref<1024xf32, #tpu.memory_space<vmem>>[vector<16xi32>], vector<16xf32>,
      %parallel_loop3A_498 = arith.index_cast %parallel_loop3A_468 : i32 to index
      %parallel_loop3A_499 = arith.index_cast %parallel_loop3A_486 : i32 to index
      %parallel_loop3A_500 = tpu.vector_load %arg12[%parallel_loop3A_498, %parallel_loop3A_499] {strides = array<i32>} : memref<40x512xf32, #tpu.memory_space<vmem>>, vector<16xf32>,
      tpu.vector_store %arg12[%parallel_loop3A_498, %parallel_loop3A_499], %parallel_loop3A_497 {strides = array<i32>} : memref<40x512xf32, #tpu.memory_space<vmem>>, vector<16xf32>,
    } {sc.loop_unroll_factor = 4 : i64, sc.parallel_access}
    %dma_start3A_66 = arith.constant 0 : i32
    %dma_start3A_67 = arith.constant 0 : i32
    %dma_start3A_68 = tpu.memref_slice %arg12[%dma_start3A_66, %dma_start3A_67] : memref<40x512xf32, #tpu.memory_space<vmem>> -> memref<8x512xf32, #tpu.memory_space<vmem>>
    %dma_start3A_69 = arith.constant 0 : i32
    %dma_start3A_70 = tpu.memref_slice %arg5[%dma_start3A_69, %mul3A_2] : memref<200x16384xf32, #tpu.memory_space<hbm>> -> memref<8x512xf32, #tpu.memory_space<hbm>>
    %dma_start3A_71 = arith.constant 0 : i32
    %dma_start3A_72 = tpu.memref_slice %arg5[%dma_start3A_71, %mul3A_2] : memref<200x16384xf32, #tpu.memory_space<hbm>> -> memref<8x512xf32, #tpu.memory_space<hbm>>
    %dma_start3A_73 = arith.constant 0 : i32
    %dma_start3A_74 = arith.constant 0 : i32
    %dma_start3A_75 = tpu.memref_slice %arg12[%dma_start3A_73, %dma_start3A_74] : memref<40x512xf32, #tpu.memory_space<vmem>> -> memref<8x512xf32, #tpu.memory_space<vmem>>
    tpu.enqueue_dma source(%dma_start3A_75 : memref<8x512xf32, #tpu.memory_space<vmem>>) target(%dma_start3A_72 : memref<8x512xf32, #tpu.memory_space<hbm>>) target_semaphore(%arg18 : memref<!tpu.dma_semaphore, #tpu.memory_space<semaphore_mem>>)
    %dma_start3A_76 = arith.constant 0 : i32
    %dma_start3A_77 = arith.constant 0 : i32
    %dma_start3A_78 = tpu.memref_slice %arg8[%dma_start3A_76, %dma_start3A_77] : memref<40x512xi32, #tpu.memory_space<vmem>> -> memref<40x512xi32, #tpu.memory_space<vmem>>
    %dma_start3A_79 = arith.constant 40 : i32
    %dma_start3A_80 = tpu.memref_slice %arg2[%dma_start3A_79, %mul3A_2] : memref<200x16384xi32, #tpu.memory_space<hbm>> -> memref<40x512xi32, #tpu.memory_space<hbm>>
    %dma_start3A_81 = arith.constant 0 : i32
    %dma_start3A_82 = arith.constant 0 : i32
    %dma_start3A_83 = tpu.memref_slice %arg8[%dma_start3A_81, %dma_start3A_82] : memref<40x512xi32, #tpu.memory_space<vmem>> -> memref<40x512xi32, #tpu.memory_space<vmem>>
    %dma_start3A_84 = arith.constant 40 : i32
    %dma_start3A_85 = tpu.memref_slice %arg2[%dma_start3A_84, %mul3A_2] : memref<200x16384xi32, #tpu.memory_space<hbm>> -> memref<40x512xi32, #tpu.memory_space<hbm>>
    tpu.enqueue_dma source(%dma_start3A_85 : memref<40x512xi32, #tpu.memory_space<hbm>>) target(%dma_start3A_83 : memref<40x512xi32, #tpu.memory_space<vmem>>) target_semaphore(%arg14 : memref<!tpu.dma_semaphore, #tpu.memory_space<semaphore_mem>>)
    %dma_start3A_86 = arith.constant 0 : i32
    %dma_start3A_87 = arith.constant 0 : i32
    %dma_start3A_88 = tpu.memref_slice %arg10[%dma_start3A_86, %dma_start3A_87] : memref<40x512xi32, #tpu.memory_space<vmem>> -> memref<40x512xi32, #tpu.memory_space<vmem>>
    %dma_start3A_89 = arith.constant 40 : i32
    %dma_start3A_90 = tpu.memref_slice %arg3[%dma_start3A_89, %mul3A_2] : memref<200x16384xi32, #tpu.memory_space<hbm>> -> memref<40x512xi32, #tpu.memory_space<hbm>>
    %dma_start3A_91 = arith.constant 0 : i32
    %dma_start3A_92 = arith.constant 0 : i32
    %dma_start3A_93 = tpu.memref_slice %arg10[%dma_start3A_91, %dma_start3A_92] : memref<40x512xi32, #tpu.memory_space<vmem>> -> memref<40x512xi32, #tpu.memory_space<vmem>>
    %dma_start3A_94 = arith.constant 40 : i32
    %dma_start3A_95 = tpu.memref_slice %arg3[%dma_start3A_94, %mul3A_2] : memref<200x16384xi32, #tpu.memory_space<hbm>> -> memref<40x512xi32, #tpu.memory_space<hbm>>
    tpu.enqueue_dma source(%dma_start3A_95 : memref<40x512xi32, #tpu.memory_space<hbm>>) target(%dma_start3A_93 : memref<40x512xi32, #tpu.memory_space<vmem>>) target_semaphore(%arg16 : memref<!tpu.dma_semaphore, #tpu.memory_space<semaphore_mem>>)
    %dma_wait3A_96 = arith.constant 0 : i32
    %dma_wait3A_97 = arith.constant 0 : i32
    %dma_wait3A_98 = tpu.memref_slice %arg9[%dma_wait3A_96, %dma_wait3A_97] : memref<40x512xi32, #tpu.memory_space<vmem>> -> memref<32x512xi32, #tpu.memory_space<vmem>>
    %dma_wait3A_99 = arith.constant 8 : i32
    %dma_wait3A_100 = tpu.memref_slice %arg2[%dma_wait3A_99, %mul3A_2] : memref<200x16384xi32, #tpu.memory_space<hbm>> -> memref<32x512xi32, #tpu.memory_space<hbm>>
    %dma_wait3A_101 = arith.constant 0 : i32
    %dma_wait3A_102 = arith.constant 0 : i32
    %dma_wait3A_103 = tpu.memref_slice %arg9[%dma_wait3A_101, %dma_wait3A_102] : memref<40x512xi32, #tpu.memory_space<vmem>> -> memref<32x512xi32, #tpu.memory_space<vmem>>
    %dma_wait3A_104 = arith.constant 8 : i32
    %dma_wait3A_105 = tpu.memref_slice %arg2[%dma_wait3A_104, %mul3A_2] : memref<200x16384xi32, #tpu.memory_space<hbm>> -> memref<32x512xi32, #tpu.memory_space<hbm>>
    tpu.wait_dma2 semaphore(%arg15 : memref<!tpu.dma_semaphore, #tpu.memory_space<semaphore_mem>>) src(%dma_wait3A_105 : memref<32x512xi32, #tpu.memory_space<hbm>>) dst(%dma_wait3A_103 : memref<32x512xi32, #tpu.memory_space<vmem>>)
    %dma_wait3A_106 = arith.constant 0 : i32
    %dma_wait3A_107 = arith.constant 0 : i32
    %dma_wait3A_108 = tpu.memref_slice %arg11[%dma_wait3A_106, %dma_wait3A_107] : memref<40x512xi32, #tpu.memory_space<vmem>> -> memref<32x512xi32, #tpu.memory_space<vmem>>
    %dma_wait3A_109 = arith.constant 8 : i32
    %dma_wait3A_110 = tpu.memref_slice %arg3[%dma_wait3A_109, %mul3A_2] : memref<200x16384xi32, #tpu.memory_space<hbm>> -> memref<32x512xi32, #tpu.memory_space<hbm>>
    %dma_wait3A_111 = arith.constant 0 : i32
    %dma_wait3A_112 = arith.constant 0 : i32
    %dma_wait3A_113 = tpu.memref_slice %arg11[%dma_wait3A_111, %dma_wait3A_112] : memref<40x512xi32, #tpu.memory_space<vmem>> -> memref<32x512xi32, #tpu.memory_space<vmem>>
    %dma_wait3A_114 = arith.constant 8 : i32
    %dma_wait3A_115 = tpu.memref_slice %arg3[%dma_wait3A_114, %mul3A_2] : memref<200x16384xi32, #tpu.memory_space<hbm>> -> memref<32x512xi32, #tpu.memory_space<hbm>>
    tpu.wait_dma2 semaphore(%arg17 : memref<!tpu.dma_semaphore, #tpu.memory_space<semaphore_mem>>) src(%dma_wait3A_115 : memref<32x512xi32, #tpu.memory_space<hbm>>) dst(%dma_wait3A_113 : memref<32x512xi32, #tpu.memory_space<vmem>>)
    %parallel_loop3A_116 = arith.constant 0 : i32
    %parallel_loop3A_117 = arith.constant 1024 : i32
    %parallel_loop3A_118 = arith.constant 1 : i32
    scf.for %parallel_loop3A_444 = %parallel_loop3A_116 to %parallel_loop3A_117 step %parallel_loop3A_118  : i32 {
      %parallel_loop3A_445 = arith.constant 32 : i32
      %parallel_loop3A_446 = arith.divsi %parallel_loop3A_444, %parallel_loop3A_445 : i32
      %parallel_loop3A_447 = arith.constant 0 : i32
      %parallel_loop3A_448 = arith.cmpi sgt, %parallel_loop3A_444, %parallel_loop3A_447 : i32
      %parallel_loop3A_449 = arith.extui %parallel_loop3A_448 : i1 to i32
      %parallel_loop3A_450 = arith.constant 0 : i32
      %parallel_loop3A_451 = arith.cmpi slt, %parallel_loop3A_444, %parallel_loop3A_450 : i32
      %parallel_loop3A_452 = arith.extui %parallel_loop3A_451 : i1 to i32
      %parallel_loop3A_453 = arith.subi %parallel_loop3A_449, %parallel_loop3A_452 : i32
      %parallel_loop3A_454 = arith.constant 0 : i32
      %parallel_loop3A_455 = arith.cmpi sgt, %parallel_loop3A_445, %parallel_loop3A_454 : i32
      %parallel_loop3A_456 = arith.extui %parallel_loop3A_455 : i1 to i32
      %parallel_loop3A_457 = arith.constant 0 : i32
      %parallel_loop3A_458 = arith.cmpi slt, %parallel_loop3A_445, %parallel_loop3A_457 : i32
      %parallel_loop3A_459 = arith.extui %parallel_loop3A_458 : i1 to i32
      %parallel_loop3A_460 = arith.subi %parallel_loop3A_456, %parallel_loop3A_459 : i32
      %parallel_loop3A_461 = arith.cmpi ne, %parallel_loop3A_453, %parallel_loop3A_460 : i32
      %parallel_loop3A_462 = arith.remsi %parallel_loop3A_444, %parallel_loop3A_445 : i32
      %parallel_loop3A_463 = arith.constant 0 : i32
      %parallel_loop3A_464 = arith.cmpi ne, %parallel_loop3A_462, %parallel_loop3A_463 : i32
      %parallel_loop3A_465 = arith.andi %parallel_loop3A_461, %parallel_loop3A_464 : i1
      %parallel_loop3A_466 = arith.constant 1 : i32
      %parallel_loop3A_467 = arith.subi %parallel_loop3A_446, %parallel_loop3A_466 : i32
      %parallel_loop3A_468 = arith.select %parallel_loop3A_465, %parallel_loop3A_467, %parallel_loop3A_446 : i32
      %parallel_loop3A_469 = arith.constant 32 : i32
      %parallel_loop3A_470 = arith.constant 0 : i32
      %parallel_loop3A_471 = arith.cmpi eq, %parallel_loop3A_469, %parallel_loop3A_470 : i32
      %parallel_loop3A_472 = arith.constant 1 : i32
      %parallel_loop3A_473 = arith.select %parallel_loop3A_471, %parallel_loop3A_472, %parallel_loop3A_469 : i32
      %parallel_loop3A_474 = arith.remsi %parallel_loop3A_444, %parallel_loop3A_473 : i32
      %parallel_loop3A_475 = arith.constant 0 : i32
      %parallel_loop3A_476 = arith.cmpi ne, %parallel_loop3A_474, %parallel_loop3A_475 : i32
      %parallel_loop3A_477 = arith.constant 0 : i32
      %parallel_loop3A_478 = arith.cmpi slt, %parallel_loop3A_474, %parallel_loop3A_477 : i32
      %parallel_loop3A_479 = arith.constant 0 : i32
      %parallel_loop3A_480 = arith.cmpi slt, %parallel_loop3A_473, %parallel_loop3A_479 : i32
      %parallel_loop3A_481 = arith.xori %parallel_loop3A_478, %parallel_loop3A_480 : i1
      %parallel_loop3A_482 = arith.andi %parallel_loop3A_481, %parallel_loop3A_476 : i1
      %parallel_loop3A_483 = arith.addi %parallel_loop3A_474, %parallel_loop3A_473 : i32
      %parallel_loop3A_484 = arith.select %parallel_loop3A_482, %parallel_loop3A_483, %parallel_loop3A_474 : i32
      %parallel_loop3A_485 = arith.constant 16 : i32
      %parallel_loop3A_486 = arith.muli %parallel_loop3A_484, %parallel_loop3A_485 : i32
      %parallel_loop3A_487 = arith.index_cast %parallel_loop3A_468 : i32 to index
      %parallel_loop3A_488 = arith.index_cast %parallel_loop3A_486 : i32 to index
      %parallel_loop3A_489 = tpu.vector_load %arg9[%parallel_loop3A_487, %parallel_loop3A_488] {strides = array<i32>} : memref<40x512xi32, #tpu.memory_space<vmem>>, vector<16xi32>,
      %parallel_loop3A_490 = arith.index_cast %parallel_loop3A_468 : i32 to index
      %parallel_loop3A_491 = arith.index_cast %parallel_loop3A_486 : i32 to index
      %parallel_loop3A_492 = tpu.vector_load %arg11[%parallel_loop3A_490, %parallel_loop3A_491] {strides = array<i32>} : memref<40x512xi32, #tpu.memory_space<vmem>>, vector<16xi32>,
      %parallel_loop3A_493 = arith.constant 32 : i32
      %parallel_loop3A_494 = vector.broadcast %parallel_loop3A_493 : i32 to vector<16xi32>
      %parallel_loop3A_495 = arith.muli %parallel_loop3A_489, %parallel_loop3A_494 : vector<16xi32>
      %parallel_loop3A_496 = arith.addi %parallel_loop3A_495, %parallel_loop3A_492 : vector<16xi32>
      %parallel_loop3A_497 = tpu.vector_load_idx %arg7[%parallel_loop3A_496] : memref<1024xf32, #tpu.memory_space<vmem>>[vector<16xi32>], vector<16xf32>,
      %parallel_loop3A_498 = arith.index_cast %parallel_loop3A_468 : i32 to index
      %parallel_loop3A_499 = arith.index_cast %parallel_loop3A_486 : i32 to index
      %parallel_loop3A_500 = tpu.vector_load %arg13[%parallel_loop3A_498, %parallel_loop3A_499] {strides = array<i32>} : memref<40x512xf32, #tpu.memory_space<vmem>>, vector<16xf32>,
      tpu.vector_store %arg13[%parallel_loop3A_498, %parallel_loop3A_499], %parallel_loop3A_497 {strides = array<i32>} : memref<40x512xf32, #tpu.memory_space<vmem>>, vector<16xf32>,
    } {sc.loop_unroll_factor = 4 : i64, sc.parallel_access}
    %dma_start3A_119 = arith.constant 0 : i32
    %dma_start3A_120 = arith.constant 0 : i32
    %dma_start3A_121 = tpu.memref_slice %arg13[%dma_start3A_119, %dma_start3A_120] : memref<40x512xf32, #tpu.memory_space<vmem>> -> memref<32x512xf32, #tpu.memory_space<vmem>>
    %dma_start3A_122 = arith.constant 8 : i32
    %dma_start3A_123 = tpu.memref_slice %arg5[%dma_start3A_122, %mul3A_2] : memref<200x16384xf32, #tpu.memory_space<hbm>> -> memref<32x512xf32, #tpu.memory_space<hbm>>
    %dma_start3A_124 = arith.constant 8 : i32
    %dma_start3A_125 = tpu.memref_slice %arg5[%dma_start3A_124, %mul3A_2] : memref<200x16384xf32, #tpu.memory_space<hbm>> -> memref<32x512xf32, #tpu.memory_space<hbm>>
    %dma_start3A_126 = arith.constant 0 : i32
    %dma_start3A_127 = arith.constant 0 : i32
    %dma_start3A_128 = tpu.memref_slice %arg13[%dma_start3A_126, %dma_start3A_127] : memref<40x512xf32, #tpu.memory_space<vmem>> -> memref<32x512xf32, #tpu.memory_space<vmem>>
    tpu.enqueue_dma source(%dma_start3A_128 : memref<32x512xf32, #tpu.memory_space<vmem>>) target(%dma_start3A_125 : memref<32x512xf32, #tpu.memory_space<hbm>>) target_semaphore(%arg19 : memref<!tpu.dma_semaphore, #tpu.memory_space<semaphore_mem>>)
    %dma_start3A_129 = arith.constant 0 : i32
    %dma_start3A_130 = arith.constant 0 : i32
    %dma_start3A_131 = tpu.memref_slice %arg9[%dma_start3A_129, %dma_start3A_130] : memref<40x512xi32, #tpu.memory_space<vmem>> -> memref<40x512xi32, #tpu.memory_space<vmem>>
    %dma_start3A_132 = arith.constant 80 : i32
    %dma_start3A_133 = tpu.memref_slice %arg2[%dma_start3A_132, %mul3A_2] : memref<200x16384xi32, #tpu.memory_space<hbm>> -> memref<40x512xi32, #tpu.memory_space<hbm>>
    %dma_start3A_134 = arith.constant 0 : i32
    %dma_start3A_135 = arith.constant 0 : i32
    %dma_start3A_136 = tpu.memref_slice %arg9[%dma_start3A_134, %dma_start3A_135] : memref<40x512xi32, #tpu.memory_space<vmem>> -> memref<40x512xi32, #tpu.memory_space<vmem>>
    %dma_start3A_137 = arith.constant 80 : i32
    %dma_start3A_138 = tpu.memref_slice %arg2[%dma_start3A_137, %mul3A_2] : memref<200x16384xi32, #tpu.memory_space<hbm>> -> memref<40x512xi32, #tpu.memory_space<hbm>>
    tpu.enqueue_dma source(%dma_start3A_138 : memref<40x512xi32, #tpu.memory_space<hbm>>) target(%dma_start3A_136 : memref<40x512xi32, #tpu.memory_space<vmem>>) target_semaphore(%arg15 : memref<!tpu.dma_semaphore, #tpu.memory_space<semaphore_mem>>)
    %dma_start3A_139 = arith.constant 0 : i32
    %dma_start3A_140 = arith.constant 0 : i32
    %dma_start3A_141 = tpu.memref_slice %arg11[%dma_start3A_139, %dma_start3A_140] : memref<40x512xi32, #tpu.memory_space<vmem>> -> memref<40x512xi32, #tpu.memory_space<vmem>>
    %dma_start3A_142 = arith.constant 80 : i32
    %dma_start3A_143 = tpu.memref_slice %arg3[%dma_start3A_142, %mul3A_2] : memref<200x16384xi32, #tpu.memory_space<hbm>> -> memref<40x512xi32, #tpu.memory_space<hbm>>
    %dma_start3A_144 = arith.constant 0 : i32
    %dma_start3A_145 = arith.constant 0 : i32
    %dma_start3A_146 = tpu.memref_slice %arg11[%dma_start3A_144, %dma_start3A_145] : memref<40x512xi32, #tpu.memory_space<vmem>> -> memref<40x512xi32, #tpu.memory_space<vmem>>
    %dma_start3A_147 = arith.constant 80 : i32
    %dma_start3A_148 = tpu.memref_slice %arg3[%dma_start3A_147, %mul3A_2] : memref<200x16384xi32, #tpu.memory_space<hbm>> -> memref<40x512xi32, #tpu.memory_space<hbm>>
    tpu.enqueue_dma source(%dma_start3A_148 : memref<40x512xi32, #tpu.memory_space<hbm>>) target(%dma_start3A_146 : memref<40x512xi32, #tpu.memory_space<vmem>>) target_semaphore(%arg17 : memref<!tpu.dma_semaphore, #tpu.memory_space<semaphore_mem>>)
    %dma_wait3A_149 = arith.constant 0 : i32
    %dma_wait3A_150 = arith.constant 0 : i32
    %dma_wait3A_151 = tpu.memref_slice %arg8[%dma_wait3A_149, %dma_wait3A_150] : memref<40x512xi32, #tpu.memory_space<vmem>> -> memref<40x512xi32, #tpu.memory_space<vmem>>
    %dma_wait3A_152 = arith.constant 40 : i32
    %dma_wait3A_153 = tpu.memref_slice %arg2[%dma_wait3A_152, %mul3A_2] : memref<200x16384xi32, #tpu.memory_space<hbm>> -> memref<40x512xi32, #tpu.memory_space<hbm>>
    %dma_wait3A_154 = arith.constant 0 : i32
    %dma_wait3A_155 = arith.constant 0 : i32
    %dma_wait3A_156 = tpu.memref_slice %arg8[%dma_wait3A_154, %dma_wait3A_155] : memref<40x512xi32, #tpu.memory_space<vmem>> -> memref<40x512xi32, #tpu.memory_space<vmem>>
    %dma_wait3A_157 = arith.constant 40 : i32
    %dma_wait3A_158 = tpu.memref_slice %arg2[%dma_wait3A_157, %mul3A_2] : memref<200x16384xi32, #tpu.memory_space<hbm>> -> memref<40x512xi32, #tpu.memory_space<hbm>>
    tpu.wait_dma2 semaphore(%arg14 : memref<!tpu.dma_semaphore, #tpu.memory_space<semaphore_mem>>) src(%dma_wait3A_158 : memref<40x512xi32, #tpu.memory_space<hbm>>) dst(%dma_wait3A_156 : memref<40x512xi32, #tpu.memory_space<vmem>>)
    %dma_wait3A_159 = arith.constant 0 : i32
    %dma_wait3A_160 = arith.constant 0 : i32
    %dma_wait3A_161 = tpu.memref_slice %arg10[%dma_wait3A_159, %dma_wait3A_160] : memref<40x512xi32, #tpu.memory_space<vmem>> -> memref<40x512xi32, #tpu.memory_space<vmem>>
    %dma_wait3A_162 = arith.constant 40 : i32
    %dma_wait3A_163 = tpu.memref_slice %arg3[%dma_wait3A_162, %mul3A_2] : memref<200x16384xi32, #tpu.memory_space<hbm>> -> memref<40x512xi32, #tpu.memory_space<hbm>>
    %dma_wait3A_164 = arith.constant 0 : i32
    %dma_wait3A_165 = arith.constant 0 : i32
    %dma_wait3A_166 = tpu.memref_slice %arg10[%dma_wait3A_164, %dma_wait3A_165] : memref<40x512xi32, #tpu.memory_space<vmem>> -> memref<40x512xi32, #tpu.memory_space<vmem>>
    %dma_wait3A_167 = arith.constant 40 : i32
    %dma_wait3A_168 = tpu.memref_slice %arg3[%dma_wait3A_167, %mul3A_2] : memref<200x16384xi32, #tpu.memory_space<hbm>> -> memref<40x512xi32, #tpu.memory_space<hbm>>
    tpu.wait_dma2 semaphore(%arg16 : memref<!tpu.dma_semaphore, #tpu.memory_space<semaphore_mem>>) src(%dma_wait3A_168 : memref<40x512xi32, #tpu.memory_space<hbm>>) dst(%dma_wait3A_166 : memref<40x512xi32, #tpu.memory_space<vmem>>)
    %dma_wait3A_169 = arith.constant 0 : i32
    %dma_wait3A_170 = arith.constant 0 : i32
    %dma_wait3A_171 = tpu.memref_slice %arg12[%dma_wait3A_169, %dma_wait3A_170] : memref<40x512xf32, #tpu.memory_space<vmem>> -> memref<8x512xf32, #tpu.memory_space<vmem>>
    %dma_wait3A_172 = arith.constant 0 : i32
    %dma_wait3A_173 = tpu.memref_slice %arg5[%dma_wait3A_172, %mul3A_2] : memref<200x16384xf32, #tpu.memory_space<hbm>> -> memref<8x512xf32, #tpu.memory_space<hbm>>
    %dma_wait3A_174 = arith.constant 0 : i32
    %dma_wait3A_175 = tpu.memref_slice %arg5[%dma_wait3A_174, %mul3A_2] : memref<200x16384xf32, #tpu.memory_space<hbm>> -> memref<8x512xf32, #tpu.memory_space<hbm>>
    %dma_wait3A_176 = arith.constant 0 : i32
    %dma_wait3A_177 = arith.constant 0 : i32
    %dma_wait3A_178 = tpu.memref_slice %arg12[%dma_wait3A_176, %dma_wait3A_177] : memref<40x512xf32, #tpu.memory_space<vmem>> -> memref<8x512xf32, #tpu.memory_space<vmem>>
    tpu.wait_dma2 semaphore(%arg18 : memref<!tpu.dma_semaphore, #tpu.memory_space<semaphore_mem>>) src(%dma_wait3A_178 : memref<8x512xf32, #tpu.memory_space<vmem>>) dst(%dma_wait3A_175 : memref<8x512xf32, #tpu.memory_space<hbm>>)
    %parallel_loop3A_179 = arith.constant 0 : i32
    %parallel_loop3A_180 = arith.constant 1280 : i32
    %parallel_loop3A_181 = arith.constant 1 : i32
    scf.for %parallel_loop3A_444 = %parallel_loop3A_179 to %parallel_loop3A_180 step %parallel_loop3A_181  : i32 {
      %parallel_loop3A_445 = arith.constant 32 : i32
      %parallel_loop3A_446 = arith.divsi %parallel_loop3A_444, %parallel_loop3A_445 : i32
      %parallel_loop3A_447 = arith.constant 0 : i32
      %parallel_loop3A_448 = arith.cmpi sgt, %parallel_loop3A_444, %parallel_loop3A_447 : i32
      %parallel_loop3A_449 = arith.extui %parallel_loop3A_448 : i1 to i32
      %parallel_loop3A_450 = arith.constant 0 : i32
      %parallel_loop3A_451 = arith.cmpi slt, %parallel_loop3A_444, %parallel_loop3A_450 : i32
      %parallel_loop3A_452 = arith.extui %parallel_loop3A_451 : i1 to i32
      %parallel_loop3A_453 = arith.subi %parallel_loop3A_449, %parallel_loop3A_452 : i32
      %parallel_loop3A_454 = arith.constant 0 : i32
      %parallel_loop3A_455 = arith.cmpi sgt, %parallel_loop3A_445, %parallel_loop3A_454 : i32
      %parallel_loop3A_456 = arith.extui %parallel_loop3A_455 : i1 to i32
      %parallel_loop3A_457 = arith.constant 0 : i32
      %parallel_loop3A_458 = arith.cmpi slt, %parallel_loop3A_445, %parallel_loop3A_457 : i32
      %parallel_loop3A_459 = arith.extui %parallel_loop3A_458 : i1 to i32
      %parallel_loop3A_460 = arith.subi %parallel_loop3A_456, %parallel_loop3A_459 : i32
      %parallel_loop3A_461 = arith.cmpi ne, %parallel_loop3A_453, %parallel_loop3A_460 : i32
      %parallel_loop3A_462 = arith.remsi %parallel_loop3A_444, %parallel_loop3A_445 : i32
      %parallel_loop3A_463 = arith.constant 0 : i32
      %parallel_loop3A_464 = arith.cmpi ne, %parallel_loop3A_462, %parallel_loop3A_463 : i32
      %parallel_loop3A_465 = arith.andi %parallel_loop3A_461, %parallel_loop3A_464 : i1
      %parallel_loop3A_466 = arith.constant 1 : i32
      %parallel_loop3A_467 = arith.subi %parallel_loop3A_446, %parallel_loop3A_466 : i32
      %parallel_loop3A_468 = arith.select %parallel_loop3A_465, %parallel_loop3A_467, %parallel_loop3A_446 : i32
      %parallel_loop3A_469 = arith.constant 32 : i32
      %parallel_loop3A_470 = arith.constant 0 : i32
      %parallel_loop3A_471 = arith.cmpi eq, %parallel_loop3A_469, %parallel_loop3A_470 : i32
      %parallel_loop3A_472 = arith.constant 1 : i32
      %parallel_loop3A_473 = arith.select %parallel_loop3A_471, %parallel_loop3A_472, %parallel_loop3A_469 : i32
      %parallel_loop3A_474 = arith.remsi %parallel_loop3A_444, %parallel_loop3A_473 : i32
      %parallel_loop3A_475 = arith.constant 0 : i32
      %parallel_loop3A_476 = arith.cmpi ne, %parallel_loop3A_474, %parallel_loop3A_475 : i32
      %parallel_loop3A_477 = arith.constant 0 : i32
      %parallel_loop3A_478 = arith.cmpi slt, %parallel_loop3A_474, %parallel_loop3A_477 : i32
      %parallel_loop3A_479 = arith.constant 0 : i32
      %parallel_loop3A_480 = arith.cmpi slt, %parallel_loop3A_473, %parallel_loop3A_479 : i32
      %parallel_loop3A_481 = arith.xori %parallel_loop3A_478, %parallel_loop3A_480 : i1
      %parallel_loop3A_482 = arith.andi %parallel_loop3A_481, %parallel_loop3A_476 : i1
      %parallel_loop3A_483 = arith.addi %parallel_loop3A_474, %parallel_loop3A_473 : i32
      %parallel_loop3A_484 = arith.select %parallel_loop3A_482, %parallel_loop3A_483, %parallel_loop3A_474 : i32
      %parallel_loop3A_485 = arith.constant 16 : i32
      %parallel_loop3A_486 = arith.muli %parallel_loop3A_484, %parallel_loop3A_485 : i32
      %parallel_loop3A_487 = arith.index_cast %parallel_loop3A_468 : i32 to index
      %parallel_loop3A_488 = arith.index_cast %parallel_loop3A_486 : i32 to index
      %parallel_loop3A_489 = tpu.vector_load %arg8[%parallel_loop3A_487, %parallel_loop3A_488] {strides = array<i32>} : memref<40x512xi32, #tpu.memory_space<vmem>>, vector<16xi32>,
      %parallel_loop3A_490 = arith.index_cast %parallel_loop3A_468 : i32 to index
      %parallel_loop3A_491 = arith.index_cast %parallel_loop3A_486 : i32 to index
      %parallel_loop3A_492 = tpu.vector_load %arg10[%parallel_loop3A_490, %parallel_loop3A_491] {strides = array<i32>} : memref<40x512xi32, #tpu.memory_space<vmem>>, vector<16xi32>,
      %parallel_loop3A_493 = arith.constant 32 : i32
      %parallel_loop3A_494 = vector.broadcast %parallel_loop3A_493 : i32 to vector<16xi32>
      %parallel_loop3A_495 = arith.muli %parallel_loop3A_489, %parallel_loop3A_494 : vector<16xi32>
      %parallel_loop3A_496 = arith.addi %parallel_loop3A_495, %parallel_loop3A_492 : vector<16xi32>
      %parallel_loop3A_497 = tpu.vector_load_idx %arg7[%parallel_loop3A_496] : memref<1024xf32, #tpu.memory_space<vmem>>[vector<16xi32>], vector<16xf32>,
      %parallel_loop3A_498 = arith.index_cast %parallel_loop3A_468 : i32 to index
      %parallel_loop3A_499 = arith.index_cast %parallel_loop3A_486 : i32 to index
      %parallel_loop3A_500 = tpu.vector_load %arg12[%parallel_loop3A_498, %parallel_loop3A_499] {strides = array<i32>} : memref<40x512xf32, #tpu.memory_space<vmem>>, vector<16xf32>,
      tpu.vector_store %arg12[%parallel_loop3A_498, %parallel_loop3A_499], %parallel_loop3A_497 {strides = array<i32>} : memref<40x512xf32, #tpu.memory_space<vmem>>, vector<16xf32>,
    } {sc.loop_unroll_factor = 4 : i64, sc.parallel_access}
    %dma_start3A_182 = arith.constant 0 : i32
    %dma_start3A_183 = arith.constant 0 : i32
    %dma_start3A_184 = tpu.memref_slice %arg12[%dma_start3A_182, %dma_start3A_183] : memref<40x512xf32, #tpu.memory_space<vmem>> -> memref<40x512xf32, #tpu.memory_space<vmem>>
    %dma_start3A_185 = arith.constant 40 : i32
    %dma_start3A_186 = tpu.memref_slice %arg5[%dma_start3A_185, %mul3A_2] : memref<200x16384xf32, #tpu.memory_space<hbm>> -> memref<40x512xf32, #tpu.memory_space<hbm>>
    %dma_start3A_187 = arith.constant 40 : i32
    %dma_start3A_188 = tpu.memref_slice %arg5[%dma_start3A_187, %mul3A_2] : memref<200x16384xf32, #tpu.memory_space<hbm>> -> memref<40x512xf32, #tpu.memory_space<hbm>>
    %dma_start3A_189 = arith.constant 0 : i32
    %dma_start3A_190 = arith.constant 0 : i32
    %dma_start3A_191 = tpu.memref_slice %arg12[%dma_start3A_189, %dma_start3A_190] : memref<40x512xf32, #tpu.memory_space<vmem>> -> memref<40x512xf32, #tpu.memory_space<vmem>>
    tpu.enqueue_dma source(%dma_start3A_191 : memref<40x512xf32, #tpu.memory_space<vmem>>) target(%dma_start3A_188 : memref<40x512xf32, #tpu.memory_space<hbm>>) target_semaphore(%arg18 : memref<!tpu.dma_semaphore, #tpu.memory_space<semaphore_mem>>)
    %dma_start3A_192 = arith.constant 0 : i32
    %dma_start3A_193 = arith.constant 0 : i32
    %dma_start3A_194 = tpu.memref_slice %arg8[%dma_start3A_192, %dma_start3A_193] : memref<40x512xi32, #tpu.memory_space<vmem>> -> memref<40x512xi32, #tpu.memory_space<vmem>>
    %dma_start3A_195 = arith.constant 120 : i32
    %dma_start3A_196 = tpu.memref_slice %arg2[%dma_start3A_195, %mul3A_2] : memref<200x16384xi32, #tpu.memory_space<hbm>> -> memref<40x512xi32, #tpu.memory_space<hbm>>
    %dma_start3A_197 = arith.constant 0 : i32
    %dma_start3A_198 = arith.constant 0 : i32
    %dma_start3A_199 = tpu.memref_slice %arg8[%dma_start3A_197, %dma_start3A_198] : memref<40x512xi32, #tpu.memory_space<vmem>> -> memref<40x512xi32, #tpu.memory_space<vmem>>
    %dma_start3A_200 = arith.constant 120 : i32
    %dma_start3A_201 = tpu.memref_slice %arg2[%dma_start3A_200, %mul3A_2] : memref<200x16384xi32, #tpu.memory_space<hbm>> -> memref<40x512xi32, #tpu.memory_space<hbm>>
    tpu.enqueue_dma source(%dma_start3A_201 : memref<40x512xi32, #tpu.memory_space<hbm>>) target(%dma_start3A_199 : memref<40x512xi32, #tpu.memory_space<vmem>>) target_semaphore(%arg14 : memref<!tpu.dma_semaphore, #tpu.memory_space<semaphore_mem>>)
    %dma_start3A_202 = arith.constant 0 : i32
    %dma_start3A_203 = arith.constant 0 : i32
    %dma_start3A_204 = tpu.memref_slice %arg10[%dma_start3A_202, %dma_start3A_203] : memref<40x512xi32, #tpu.memory_space<vmem>> -> memref<40x512xi32, #tpu.memory_space<vmem>>
    %dma_start3A_205 = arith.constant 120 : i32
    %dma_start3A_206 = tpu.memref_slice %arg3[%dma_start3A_205, %mul3A_2] : memref<200x16384xi32, #tpu.memory_space<hbm>> -> memref<40x512xi32, #tpu.memory_space<hbm>>
    %dma_start3A_207 = arith.constant 0 : i32
    %dma_start3A_208 = arith.constant 0 : i32
    %dma_start3A_209 = tpu.memref_slice %arg10[%dma_start3A_207, %dma_start3A_208] : memref<40x512xi32, #tpu.memory_space<vmem>> -> memref<40x512xi32, #tpu.memory_space<vmem>>
    %dma_start3A_210 = arith.constant 120 : i32
    %dma_start3A_211 = tpu.memref_slice %arg3[%dma_start3A_210, %mul3A_2] : memref<200x16384xi32, #tpu.memory_space<hbm>> -> memref<40x512xi32, #tpu.memory_space<hbm>>
    tpu.enqueue_dma source(%dma_start3A_211 : memref<40x512xi32, #tpu.memory_space<hbm>>) target(%dma_start3A_209 : memref<40x512xi32, #tpu.memory_space<vmem>>) target_semaphore(%arg16 : memref<!tpu.dma_semaphore, #tpu.memory_space<semaphore_mem>>)
    %dma_wait3A_212 = arith.constant 0 : i32
    %dma_wait3A_213 = arith.constant 0 : i32
    %dma_wait3A_214 = tpu.memref_slice %arg9[%dma_wait3A_212, %dma_wait3A_213] : memref<40x512xi32, #tpu.memory_space<vmem>> -> memref<40x512xi32, #tpu.memory_space<vmem>>
    %dma_wait3A_215 = arith.constant 80 : i32
    %dma_wait3A_216 = tpu.memref_slice %arg2[%dma_wait3A_215, %mul3A_2] : memref<200x16384xi32, #tpu.memory_space<hbm>> -> memref<40x512xi32, #tpu.memory_space<hbm>>
    %dma_wait3A_217 = arith.constant 0 : i32
    %dma_wait3A_218 = arith.constant 0 : i32
    %dma_wait3A_219 = tpu.memref_slice %arg9[%dma_wait3A_217, %dma_wait3A_218] : memref<40x512xi32, #tpu.memory_space<vmem>> -> memref<40x512xi32, #tpu.memory_space<vmem>>
    %dma_wait3A_220 = arith.constant 80 : i32
    %dma_wait3A_221 = tpu.memref_slice %arg2[%dma_wait3A_220, %mul3A_2] : memref<200x16384xi32, #tpu.memory_space<hbm>> -> memref<40x512xi32, #tpu.memory_space<hbm>>
    tpu.wait_dma2 semaphore(%arg15 : memref<!tpu.dma_semaphore, #tpu.memory_space<semaphore_mem>>) src(%dma_wait3A_221 : memref<40x512xi32, #tpu.memory_space<hbm>>) dst(%dma_wait3A_219 : memref<40x512xi32, #tpu.memory_space<vmem>>)
    %dma_wait3A_222 = arith.constant 0 : i32
    %dma_wait3A_223 = arith.constant 0 : i32
    %dma_wait3A_224 = tpu.memref_slice %arg11[%dma_wait3A_222, %dma_wait3A_223] : memref<40x512xi32, #tpu.memory_space<vmem>> -> memref<40x512xi32, #tpu.memory_space<vmem>>
    %dma_wait3A_225 = arith.constant 80 : i32
    %dma_wait3A_226 = tpu.memref_slice %arg3[%dma_wait3A_225, %mul3A_2] : memref<200x16384xi32, #tpu.memory_space<hbm>> -> memref<40x512xi32, #tpu.memory_space<hbm>>
    %dma_wait3A_227 = arith.constant 0 : i32
    %dma_wait3A_228 = arith.constant 0 : i32
    %dma_wait3A_229 = tpu.memref_slice %arg11[%dma_wait3A_227, %dma_wait3A_228] : memref<40x512xi32, #tpu.memory_space<vmem>> -> memref<40x512xi32, #tpu.memory_space<vmem>>
    %dma_wait3A_230 = arith.constant 80 : i32
    %dma_wait3A_231 = tpu.memref_slice %arg3[%dma_wait3A_230, %mul3A_2] : memref<200x16384xi32, #tpu.memory_space<hbm>> -> memref<40x512xi32, #tpu.memory_space<hbm>>
    tpu.wait_dma2 semaphore(%arg17 : memref<!tpu.dma_semaphore, #tpu.memory_space<semaphore_mem>>) src(%dma_wait3A_231 : memref<40x512xi32, #tpu.memory_space<hbm>>) dst(%dma_wait3A_229 : memref<40x512xi32, #tpu.memory_space<vmem>>)
    %dma_wait3A_232 = arith.constant 0 : i32
    %dma_wait3A_233 = arith.constant 0 : i32
    %dma_wait3A_234 = tpu.memref_slice %arg13[%dma_wait3A_232, %dma_wait3A_233] : memref<40x512xf32, #tpu.memory_space<vmem>> -> memref<32x512xf32, #tpu.memory_space<vmem>>
    %dma_wait3A_235 = arith.constant 8 : i32
    %dma_wait3A_236 = tpu.memref_slice %arg5[%dma_wait3A_235, %mul3A_2] : memref<200x16384xf32, #tpu.memory_space<hbm>> -> memref<32x512xf32, #tpu.memory_space<hbm>>
    %dma_wait3A_237 = arith.constant 8 : i32
    %dma_wait3A_238 = tpu.memref_slice %arg5[%dma_wait3A_237, %mul3A_2] : memref<200x16384xf32, #tpu.memory_space<hbm>> -> memref<32x512xf32, #tpu.memory_space<hbm>>
    %dma_wait3A_239 = arith.constant 0 : i32
    %dma_wait3A_240 = arith.constant 0 : i32
    %dma_wait3A_241 = tpu.memref_slice %arg13[%dma_wait3A_239, %dma_wait3A_240] : memref<40x512xf32, #tpu.memory_space<vmem>> -> memref<32x512xf32, #tpu.memory_space<vmem>>
    tpu.wait_dma2 semaphore(%arg19 : memref<!tpu.dma_semaphore, #tpu.memory_space<semaphore_mem>>) src(%dma_wait3A_241 : memref<32x512xf32, #tpu.memory_space<vmem>>) dst(%dma_wait3A_238 : memref<32x512xf32, #tpu.memory_space<hbm>>)
    %parallel_loop3A_242 = arith.constant 0 : i32
    %parallel_loop3A_243 = arith.constant 1280 : i32
    %parallel_loop3A_244 = arith.constant 1 : i32
    scf.for %parallel_loop3A_444 = %parallel_loop3A_242 to %parallel_loop3A_243 step %parallel_loop3A_244  : i32 {
      %parallel_loop3A_445 = arith.constant 32 : i32
      %parallel_loop3A_446 = arith.divsi %parallel_loop3A_444, %parallel_loop3A_445 : i32
      %parallel_loop3A_447 = arith.constant 0 : i32
      %parallel_loop3A_448 = arith.cmpi sgt, %parallel_loop3A_444, %parallel_loop3A_447 : i32
      %parallel_loop3A_449 = arith.extui %parallel_loop3A_448 : i1 to i32
      %parallel_loop3A_450 = arith.constant 0 : i32
      %parallel_loop3A_451 = arith.cmpi slt, %parallel_loop3A_444, %parallel_loop3A_450 : i32
      %parallel_loop3A_452 = arith.extui %parallel_loop3A_451 : i1 to i32
      %parallel_loop3A_453 = arith.subi %parallel_loop3A_449, %parallel_loop3A_452 : i32
      %parallel_loop3A_454 = arith.constant 0 : i32
      %parallel_loop3A_455 = arith.cmpi sgt, %parallel_loop3A_445, %parallel_loop3A_454 : i32
      %parallel_loop3A_456 = arith.extui %parallel_loop3A_455 : i1 to i32
      %parallel_loop3A_457 = arith.constant 0 : i32
      %parallel_loop3A_458 = arith.cmpi slt, %parallel_loop3A_445, %parallel_loop3A_457 : i32
      %parallel_loop3A_459 = arith.extui %parallel_loop3A_458 : i1 to i32
      %parallel_loop3A_460 = arith.subi %parallel_loop3A_456, %parallel_loop3A_459 : i32
      %parallel_loop3A_461 = arith.cmpi ne, %parallel_loop3A_453, %parallel_loop3A_460 : i32
      %parallel_loop3A_462 = arith.remsi %parallel_loop3A_444, %parallel_loop3A_445 : i32
      %parallel_loop3A_463 = arith.constant 0 : i32
      %parallel_loop3A_464 = arith.cmpi ne, %parallel_loop3A_462, %parallel_loop3A_463 : i32
      %parallel_loop3A_465 = arith.andi %parallel_loop3A_461, %parallel_loop3A_464 : i1
      %parallel_loop3A_466 = arith.constant 1 : i32
      %parallel_loop3A_467 = arith.subi %parallel_loop3A_446, %parallel_loop3A_466 : i32
      %parallel_loop3A_468 = arith.select %parallel_loop3A_465, %parallel_loop3A_467, %parallel_loop3A_446 : i32
      %parallel_loop3A_469 = arith.constant 32 : i32
      %parallel_loop3A_470 = arith.constant 0 : i32
      %parallel_loop3A_471 = arith.cmpi eq, %parallel_loop3A_469, %parallel_loop3A_470 : i32
      %parallel_loop3A_472 = arith.constant 1 : i32
      %parallel_loop3A_473 = arith.select %parallel_loop3A_471, %parallel_loop3A_472, %parallel_loop3A_469 : i32
      %parallel_loop3A_474 = arith.remsi %parallel_loop3A_444, %parallel_loop3A_473 : i32
      %parallel_loop3A_475 = arith.constant 0 : i32
      %parallel_loop3A_476 = arith.cmpi ne, %parallel_loop3A_474, %parallel_loop3A_475 : i32
      %parallel_loop3A_477 = arith.constant 0 : i32
      %parallel_loop3A_478 = arith.cmpi slt, %parallel_loop3A_474, %parallel_loop3A_477 : i32
      %parallel_loop3A_479 = arith.constant 0 : i32
      %parallel_loop3A_480 = arith.cmpi slt, %parallel_loop3A_473, %parallel_loop3A_479 : i32
      %parallel_loop3A_481 = arith.xori %parallel_loop3A_478, %parallel_loop3A_480 : i1
      %parallel_loop3A_482 = arith.andi %parallel_loop3A_481, %parallel_loop3A_476 : i1
      %parallel_loop3A_483 = arith.addi %parallel_loop3A_474, %parallel_loop3A_473 : i32
      %parallel_loop3A_484 = arith.select %parallel_loop3A_482, %parallel_loop3A_483, %parallel_loop3A_474 : i32
      %parallel_loop3A_485 = arith.constant 16 : i32
      %parallel_loop3A_486 = arith.muli %parallel_loop3A_484, %parallel_loop3A_485 : i32
      %parallel_loop3A_487 = arith.index_cast %parallel_loop3A_468 : i32 to index
      %parallel_loop3A_488 = arith.index_cast %parallel_loop3A_486 : i32 to index
      %parallel_loop3A_489 = tpu.vector_load %arg9[%parallel_loop3A_487, %parallel_loop3A_488] {strides = array<i32>} : memref<40x512xi32, #tpu.memory_space<vmem>>, vector<16xi32>,
      %parallel_loop3A_490 = arith.index_cast %parallel_loop3A_468 : i32 to index
      %parallel_loop3A_491 = arith.index_cast %parallel_loop3A_486 : i32 to index
      %parallel_loop3A_492 = tpu.vector_load %arg11[%parallel_loop3A_490, %parallel_loop3A_491] {strides = array<i32>} : memref<40x512xi32, #tpu.memory_space<vmem>>, vector<16xi32>,
      %parallel_loop3A_493 = arith.constant 32 : i32
      %parallel_loop3A_494 = vector.broadcast %parallel_loop3A_493 : i32 to vector<16xi32>
      %parallel_loop3A_495 = arith.muli %parallel_loop3A_489, %parallel_loop3A_494 : vector<16xi32>
      %parallel_loop3A_496 = arith.addi %parallel_loop3A_495, %parallel_loop3A_492 : vector<16xi32>
      %parallel_loop3A_497 = tpu.vector_load_idx %arg7[%parallel_loop3A_496] : memref<1024xf32, #tpu.memory_space<vmem>>[vector<16xi32>], vector<16xf32>,
      %parallel_loop3A_498 = arith.index_cast %parallel_loop3A_468 : i32 to index
      %parallel_loop3A_499 = arith.index_cast %parallel_loop3A_486 : i32 to index
      %parallel_loop3A_500 = tpu.vector_load %arg13[%parallel_loop3A_498, %parallel_loop3A_499] {strides = array<i32>} : memref<40x512xf32, #tpu.memory_space<vmem>>, vector<16xf32>,
      tpu.vector_store %arg13[%parallel_loop3A_498, %parallel_loop3A_499], %parallel_loop3A_497 {strides = array<i32>} : memref<40x512xf32, #tpu.memory_space<vmem>>, vector<16xf32>,
    } {sc.loop_unroll_factor = 4 : i64, sc.parallel_access}
    %dma_start3A_245 = arith.constant 0 : i32
    %dma_start3A_246 = arith.constant 0 : i32
    %dma_start3A_247 = tpu.memref_slice %arg13[%dma_start3A_245, %dma_start3A_246] : memref<40x512xf32, #tpu.memory_space<vmem>> -> memref<40x512xf32, #tpu.memory_space<vmem>>
    %dma_start3A_248 = arith.constant 80 : i32
    %dma_start3A_249 = tpu.memref_slice %arg5[%dma_start3A_248, %mul3A_2] : memref<200x16384xf32, #tpu.memory_space<hbm>> -> memref<40x512xf32, #tpu.memory_space<hbm>>
    %dma_start3A_250 = arith.constant 80 : i32
    %dma_start3A_251 = tpu.memref_slice %arg5[%dma_start3A_250, %mul3A_2] : memref<200x16384xf32, #tpu.memory_space<hbm>> -> memref<40x512xf32, #tpu.memory_space<hbm>>
    %dma_start3A_252 = arith.constant 0 : i32
    %dma_start3A_253 = arith.constant 0 : i32
    %dma_start3A_254 = tpu.memref_slice %arg13[%dma_start3A_252, %dma_start3A_253] : memref<40x512xf32, #tpu.memory_space<vmem>> -> memref<40x512xf32, #tpu.memory_space<vmem>>
    tpu.enqueue_dma source(%dma_start3A_254 : memref<40x512xf32, #tpu.memory_space<vmem>>) target(%dma_start3A_251 : memref<40x512xf32, #tpu.memory_space<hbm>>) target_semaphore(%arg19 : memref<!tpu.dma_semaphore, #tpu.memory_space<semaphore_mem>>)
    %dma_start3A_255 = arith.constant 0 : i32
    %dma_start3A_256 = arith.constant 0 : i32
    %dma_start3A_257 = tpu.memref_slice %arg9[%dma_start3A_255, %dma_start3A_256] : memref<40x512xi32, #tpu.memory_space<vmem>> -> memref<32x512xi32, #tpu.memory_space<vmem>>
    %dma_start3A_258 = arith.constant 160 : i32
    %dma_start3A_259 = tpu.memref_slice %arg2[%dma_start3A_258, %mul3A_2] : memref<200x16384xi32, #tpu.memory_space<hbm>> -> memref<32x512xi32, #tpu.memory_space<hbm>>
    %dma_start3A_260 = arith.constant 0 : i32
    %dma_start3A_261 = arith.constant 0 : i32
    %dma_start3A_262 = tpu.memref_slice %arg9[%dma_start3A_260, %dma_start3A_261] : memref<40x512xi32, #tpu.memory_space<vmem>> -> memref<32x512xi32, #tpu.memory_space<vmem>>
    %dma_start3A_263 = arith.constant 160 : i32
    %dma_start3A_264 = tpu.memref_slice %arg2[%dma_start3A_263, %mul3A_2] : memref<200x16384xi32, #tpu.memory_space<hbm>> -> memref<32x512xi32, #tpu.memory_space<hbm>>
    tpu.enqueue_dma source(%dma_start3A_264 : memref<32x512xi32, #tpu.memory_space<hbm>>) target(%dma_start3A_262 : memref<32x512xi32, #tpu.memory_space<vmem>>) target_semaphore(%arg15 : memref<!tpu.dma_semaphore, #tpu.memory_space<semaphore_mem>>)
    %dma_start3A_265 = arith.constant 0 : i32
    %dma_start3A_266 = arith.constant 0 : i32
    %dma_start3A_267 = tpu.memref_slice %arg11[%dma_start3A_265, %dma_start3A_266] : memref<40x512xi32, #tpu.memory_space<vmem>> -> memref<32x512xi32, #tpu.memory_space<vmem>>
    %dma_start3A_268 = arith.constant 160 : i32
    %dma_start3A_269 = tpu.memref_slice %arg3[%dma_start3A_268, %mul3A_2] : memref<200x16384xi32, #tpu.memory_space<hbm>> -> memref<32x512xi32, #tpu.memory_space<hbm>>
    %dma_start3A_270 = arith.constant 0 : i32
    %dma_start3A_271 = arith.constant 0 : i32
    %dma_start3A_272 = tpu.memref_slice %arg11[%dma_start3A_270, %dma_start3A_271] : memref<40x512xi32, #tpu.memory_space<vmem>> -> memref<32x512xi32, #tpu.memory_space<vmem>>
    %dma_start3A_273 = arith.constant 160 : i32
    %dma_start3A_274 = tpu.memref_slice %arg3[%dma_start3A_273, %mul3A_2] : memref<200x16384xi32, #tpu.memory_space<hbm>> -> memref<32x512xi32, #tpu.memory_space<hbm>>
    tpu.enqueue_dma source(%dma_start3A_274 : memref<32x512xi32, #tpu.memory_space<hbm>>) target(%dma_start3A_272 : memref<32x512xi32, #tpu.memory_space<vmem>>) target_semaphore(%arg17 : memref<!tpu.dma_semaphore, #tpu.memory_space<semaphore_mem>>)
    %dma_wait3A_275 = arith.constant 0 : i32
    %dma_wait3A_276 = arith.constant 0 : i32
    %dma_wait3A_277 = tpu.memref_slice %arg8[%dma_wait3A_275, %dma_wait3A_276] : memref<40x512xi32, #tpu.memory_space<vmem>> -> memref<40x512xi32, #tpu.memory_space<vmem>>
    %dma_wait3A_278 = arith.constant 120 : i32
    %dma_wait3A_279 = tpu.memref_slice %arg2[%dma_wait3A_278, %mul3A_2] : memref<200x16384xi32, #tpu.memory_space<hbm>> -> memref<40x512xi32, #tpu.memory_space<hbm>>
    %dma_wait3A_280 = arith.constant 0 : i32
    %dma_wait3A_281 = arith.constant 0 : i32
    %dma_wait3A_282 = tpu.memref_slice %arg8[%dma_wait3A_280, %dma_wait3A_281] : memref<40x512xi32, #tpu.memory_space<vmem>> -> memref<40x512xi32, #tpu.memory_space<vmem>>
    %dma_wait3A_283 = arith.constant 120 : i32
    %dma_wait3A_284 = tpu.memref_slice %arg2[%dma_wait3A_283, %mul3A_2] : memref<200x16384xi32, #tpu.memory_space<hbm>> -> memref<40x512xi32, #tpu.memory_space<hbm>>
    tpu.wait_dma2 semaphore(%arg14 : memref<!tpu.dma_semaphore, #tpu.memory_space<semaphore_mem>>) src(%dma_wait3A_284 : memref<40x512xi32, #tpu.memory_space<hbm>>) dst(%dma_wait3A_282 : memref<40x512xi32, #tpu.memory_space<vmem>>)
    %dma_wait3A_285 = arith.constant 0 : i32
    %dma_wait3A_286 = arith.constant 0 : i32
    %dma_wait3A_287 = tpu.memref_slice %arg10[%dma_wait3A_285, %dma_wait3A_286] : memref<40x512xi32, #tpu.memory_space<vmem>> -> memref<40x512xi32, #tpu.memory_space<vmem>>
    %dma_wait3A_288 = arith.constant 120 : i32
    %dma_wait3A_289 = tpu.memref_slice %arg3[%dma_wait3A_288, %mul3A_2] : memref<200x16384xi32, #tpu.memory_space<hbm>> -> memref<40x512xi32, #tpu.memory_space<hbm>>
    %dma_wait3A_290 = arith.constant 0 : i32
    %dma_wait3A_291 = arith.constant 0 : i32
    %dma_wait3A_292 = tpu.memref_slice %arg10[%dma_wait3A_290, %dma_wait3A_291] : memref<40x512xi32, #tpu.memory_space<vmem>> -> memref<40x512xi32, #tpu.memory_space<vmem>>
    %dma_wait3A_293 = arith.constant 120 : i32
    %dma_wait3A_294 = tpu.memref_slice %arg3[%dma_wait3A_293, %mul3A_2] : memref<200x16384xi32, #tpu.memory_space<hbm>> -> memref<40x512xi32, #tpu.memory_space<hbm>>
    tpu.wait_dma2 semaphore(%arg16 : memref<!tpu.dma_semaphore, #tpu.memory_space<semaphore_mem>>) src(%dma_wait3A_294 : memref<40x512xi32, #tpu.memory_space<hbm>>) dst(%dma_wait3A_292 : memref<40x512xi32, #tpu.memory_space<vmem>>)
    %dma_wait3A_295 = arith.constant 0 : i32
    %dma_wait3A_296 = arith.constant 0 : i32
    %dma_wait3A_297 = tpu.memref_slice %arg12[%dma_wait3A_295, %dma_wait3A_296] : memref<40x512xf32, #tpu.memory_space<vmem>> -> memref<40x512xf32, #tpu.memory_space<vmem>>
    %dma_wait3A_298 = arith.constant 40 : i32
    %dma_wait3A_299 = tpu.memref_slice %arg5[%dma_wait3A_298, %mul3A_2] : memref<200x16384xf32, #tpu.memory_space<hbm>> -> memref<40x512xf32, #tpu.memory_space<hbm>>
    %dma_wait3A_300 = arith.constant 40 : i32
    %dma_wait3A_301 = tpu.memref_slice %arg5[%dma_wait3A_300, %mul3A_2] : memref<200x16384xf32, #tpu.memory_space<hbm>> -> memref<40x512xf32, #tpu.memory_space<hbm>>
    %dma_wait3A_302 = arith.constant 0 : i32
    %dma_wait3A_303 = arith.constant 0 : i32
    %dma_wait3A_304 = tpu.memref_slice %arg12[%dma_wait3A_302, %dma_wait3A_303] : memref<40x512xf32, #tpu.memory_space<vmem>> -> memref<40x512xf32, #tpu.memory_space<vmem>>
    tpu.wait_dma2 semaphore(%arg18 : memref<!tpu.dma_semaphore, #tpu.memory_space<semaphore_mem>>) src(%dma_wait3A_304 : memref<40x512xf32, #tpu.memory_space<vmem>>) dst(%dma_wait3A_301 : memref<40x512xf32, #tpu.memory_space<hbm>>)
    %parallel_loop3A_305 = arith.constant 0 : i32
    %parallel_loop3A_306 = arith.constant 1280 : i32
    %parallel_loop3A_307 = arith.constant 1 : i32
    scf.for %parallel_loop3A_444 = %parallel_loop3A_305 to %parallel_loop3A_306 step %parallel_loop3A_307  : i32 {
      %parallel_loop3A_445 = arith.constant 32 : i32
      %parallel_loop3A_446 = arith.divsi %parallel_loop3A_444, %parallel_loop3A_445 : i32
      %parallel_loop3A_447 = arith.constant 0 : i32
      %parallel_loop3A_448 = arith.cmpi sgt, %parallel_loop3A_444, %parallel_loop3A_447 : i32
      %parallel_loop3A_449 = arith.extui %parallel_loop3A_448 : i1 to i32
      %parallel_loop3A_450 = arith.constant 0 : i32
      %parallel_loop3A_451 = arith.cmpi slt, %parallel_loop3A_444, %parallel_loop3A_450 : i32
      %parallel_loop3A_452 = arith.extui %parallel_loop3A_451 : i1 to i32
      %parallel_loop3A_453 = arith.subi %parallel_loop3A_449, %parallel_loop3A_452 : i32
      %parallel_loop3A_454 = arith.constant 0 : i32
      %parallel_loop3A_455 = arith.cmpi sgt, %parallel_loop3A_445, %parallel_loop3A_454 : i32
      %parallel_loop3A_456 = arith.extui %parallel_loop3A_455 : i1 to i32
      %parallel_loop3A_457 = arith.constant 0 : i32
      %parallel_loop3A_458 = arith.cmpi slt, %parallel_loop3A_445, %parallel_loop3A_457 : i32
      %parallel_loop3A_459 = arith.extui %parallel_loop3A_458 : i1 to i32
      %parallel_loop3A_460 = arith.subi %parallel_loop3A_456, %parallel_loop3A_459 : i32
      %parallel_loop3A_461 = arith.cmpi ne, %parallel_loop3A_453, %parallel_loop3A_460 : i32
      %parallel_loop3A_462 = arith.remsi %parallel_loop3A_444, %parallel_loop3A_445 : i32
      %parallel_loop3A_463 = arith.constant 0 : i32
      %parallel_loop3A_464 = arith.cmpi ne, %parallel_loop3A_462, %parallel_loop3A_463 : i32
      %parallel_loop3A_465 = arith.andi %parallel_loop3A_461, %parallel_loop3A_464 : i1
      %parallel_loop3A_466 = arith.constant 1 : i32
      %parallel_loop3A_467 = arith.subi %parallel_loop3A_446, %parallel_loop3A_466 : i32
      %parallel_loop3A_468 = arith.select %parallel_loop3A_465, %parallel_loop3A_467, %parallel_loop3A_446 : i32
      %parallel_loop3A_469 = arith.constant 32 : i32
      %parallel_loop3A_470 = arith.constant 0 : i32
      %parallel_loop3A_471 = arith.cmpi eq, %parallel_loop3A_469, %parallel_loop3A_470 : i32
      %parallel_loop3A_472 = arith.constant 1 : i32
      %parallel_loop3A_473 = arith.select %parallel_loop3A_471, %parallel_loop3A_472, %parallel_loop3A_469 : i32
      %parallel_loop3A_474 = arith.remsi %parallel_loop3A_444, %parallel_loop3A_473 : i32
      %parallel_loop3A_475 = arith.constant 0 : i32
      %parallel_loop3A_476 = arith.cmpi ne, %parallel_loop3A_474, %parallel_loop3A_475 : i32
      %parallel_loop3A_477 = arith.constant 0 : i32
      %parallel_loop3A_478 = arith.cmpi slt, %parallel_loop3A_474, %parallel_loop3A_477 : i32
      %parallel_loop3A_479 = arith.constant 0 : i32
      %parallel_loop3A_480 = arith.cmpi slt, %parallel_loop3A_473, %parallel_loop3A_479 : i32
      %parallel_loop3A_481 = arith.xori %parallel_loop3A_478, %parallel_loop3A_480 : i1
      %parallel_loop3A_482 = arith.andi %parallel_loop3A_481, %parallel_loop3A_476 : i1
      %parallel_loop3A_483 = arith.addi %parallel_loop3A_474, %parallel_loop3A_473 : i32
      %parallel_loop3A_484 = arith.select %parallel_loop3A_482, %parallel_loop3A_483, %parallel_loop3A_474 : i32
      %parallel_loop3A_485 = arith.constant 16 : i32
      %parallel_loop3A_486 = arith.muli %parallel_loop3A_484, %parallel_loop3A_485 : i32
      %parallel_loop3A_487 = arith.index_cast %parallel_loop3A_468 : i32 to index
      %parallel_loop3A_488 = arith.index_cast %parallel_loop3A_486 : i32 to index
      %parallel_loop3A_489 = tpu.vector_load %arg8[%parallel_loop3A_487, %parallel_loop3A_488] {strides = array<i32>} : memref<40x512xi32, #tpu.memory_space<vmem>>, vector<16xi32>,
      %parallel_loop3A_490 = arith.index_cast %parallel_loop3A_468 : i32 to index
      %parallel_loop3A_491 = arith.index_cast %parallel_loop3A_486 : i32 to index
      %parallel_loop3A_492 = tpu.vector_load %arg10[%parallel_loop3A_490, %parallel_loop3A_491] {strides = array<i32>} : memref<40x512xi32, #tpu.memory_space<vmem>>, vector<16xi32>,
      %parallel_loop3A_493 = arith.constant 32 : i32
      %parallel_loop3A_494 = vector.broadcast %parallel_loop3A_493 : i32 to vector<16xi32>
      %parallel_loop3A_495 = arith.muli %parallel_loop3A_489, %parallel_loop3A_494 : vector<16xi32>
      %parallel_loop3A_496 = arith.addi %parallel_loop3A_495, %parallel_loop3A_492 : vector<16xi32>
      %parallel_loop3A_497 = tpu.vector_load_idx %arg7[%parallel_loop3A_496] : memref<1024xf32, #tpu.memory_space<vmem>>[vector<16xi32>], vector<16xf32>,
      %parallel_loop3A_498 = arith.index_cast %parallel_loop3A_468 : i32 to index
      %parallel_loop3A_499 = arith.index_cast %parallel_loop3A_486 : i32 to index
      %parallel_loop3A_500 = tpu.vector_load %arg12[%parallel_loop3A_498, %parallel_loop3A_499] {strides = array<i32>} : memref<40x512xf32, #tpu.memory_space<vmem>>, vector<16xf32>,
      tpu.vector_store %arg12[%parallel_loop3A_498, %parallel_loop3A_499], %parallel_loop3A_497 {strides = array<i32>} : memref<40x512xf32, #tpu.memory_space<vmem>>, vector<16xf32>,
    } {sc.loop_unroll_factor = 4 : i64, sc.parallel_access}
    %dma_start3A_308 = arith.constant 0 : i32
    %dma_start3A_309 = arith.constant 0 : i32
    %dma_start3A_310 = tpu.memref_slice %arg12[%dma_start3A_308, %dma_start3A_309] : memref<40x512xf32, #tpu.memory_space<vmem>> -> memref<40x512xf32, #tpu.memory_space<vmem>>
    %dma_start3A_311 = arith.constant 120 : i32
    %dma_start3A_312 = tpu.memref_slice %arg5[%dma_start3A_311, %mul3A_2] : memref<200x16384xf32, #tpu.memory_space<hbm>> -> memref<40x512xf32, #tpu.memory_space<hbm>>
    %dma_start3A_313 = arith.constant 120 : i32
    %dma_start3A_314 = tpu.memref_slice %arg5[%dma_start3A_313, %mul3A_2] : memref<200x16384xf32, #tpu.memory_space<hbm>> -> memref<40x512xf32, #tpu.memory_space<hbm>>
    %dma_start3A_315 = arith.constant 0 : i32
    %dma_start3A_316 = arith.constant 0 : i32
    %dma_start3A_317 = tpu.memref_slice %arg12[%dma_start3A_315, %dma_start3A_316] : memref<40x512xf32, #tpu.memory_space<vmem>> -> memref<40x512xf32, #tpu.memory_space<vmem>>
    tpu.enqueue_dma source(%dma_start3A_317 : memref<40x512xf32, #tpu.memory_space<vmem>>) target(%dma_start3A_314 : memref<40x512xf32, #tpu.memory_space<hbm>>) target_semaphore(%arg18 : memref<!tpu.dma_semaphore, #tpu.memory_space<semaphore_mem>>)
    %dma_start3A_318 = arith.constant 0 : i32
    %dma_start3A_319 = arith.constant 0 : i32
    %dma_start3A_320 = tpu.memref_slice %arg8[%dma_start3A_318, %dma_start3A_319] : memref<40x512xi32, #tpu.memory_space<vmem>> -> memref<8x512xi32, #tpu.memory_space<vmem>>
    %dma_start3A_321 = arith.constant 192 : i32
    %dma_start3A_322 = tpu.memref_slice %arg2[%dma_start3A_321, %mul3A_2] : memref<200x16384xi32, #tpu.memory_space<hbm>> -> memref<8x512xi32, #tpu.memory_space<hbm>>
    %dma_start3A_323 = arith.constant 0 : i32
    %dma_start3A_324 = arith.constant 0 : i32
    %dma_start3A_325 = tpu.memref_slice %arg8[%dma_start3A_323, %dma_start3A_324] : memref<40x512xi32, #tpu.memory_space<vmem>> -> memref<8x512xi32, #tpu.memory_space<vmem>>
    %dma_start3A_326 = arith.constant 192 : i32
    %dma_start3A_327 = tpu.memref_slice %arg2[%dma_start3A_326, %mul3A_2] : memref<200x16384xi32, #tpu.memory_space<hbm>> -> memref<8x512xi32, #tpu.memory_space<hbm>>
    tpu.enqueue_dma source(%dma_start3A_327 : memref<8x512xi32, #tpu.memory_space<hbm>>) target(%dma_start3A_325 : memref<8x512xi32, #tpu.memory_space<vmem>>) target_semaphore(%arg14 : memref<!tpu.dma_semaphore, #tpu.memory_space<semaphore_mem>>)
    %dma_start3A_328 = arith.constant 0 : i32
    %dma_start3A_329 = arith.constant 0 : i32
    %dma_start3A_330 = tpu.memref_slice %arg10[%dma_start3A_328, %dma_start3A_329] : memref<40x512xi32, #tpu.memory_space<vmem>> -> memref<8x512xi32, #tpu.memory_space<vmem>>
    %dma_start3A_331 = arith.constant 192 : i32
    %dma_start3A_332 = tpu.memref_slice %arg3[%dma_start3A_331, %mul3A_2] : memref<200x16384xi32, #tpu.memory_space<hbm>> -> memref<8x512xi32, #tpu.memory_space<hbm>>
    %dma_start3A_333 = arith.constant 0 : i32
    %dma_start3A_334 = arith.constant 0 : i32
    %dma_start3A_335 = tpu.memref_slice %arg10[%dma_start3A_333, %dma_start3A_334] : memref<40x512xi32, #tpu.memory_space<vmem>> -> memref<8x512xi32, #tpu.memory_space<vmem>>
    %dma_start3A_336 = arith.constant 192 : i32
    %dma_start3A_337 = tpu.memref_slice %arg3[%dma_start3A_336, %mul3A_2] : memref<200x16384xi32, #tpu.memory_space<hbm>> -> memref<8x512xi32, #tpu.memory_space<hbm>>
    tpu.enqueue_dma source(%dma_start3A_337 : memref<8x512xi32, #tpu.memory_space<hbm>>) target(%dma_start3A_335 : memref<8x512xi32, #tpu.memory_space<vmem>>) target_semaphore(%arg16 : memref<!tpu.dma_semaphore, #tpu.memory_space<semaphore_mem>>)
    %dma_wait3A_338 = arith.constant 0 : i32
    %dma_wait3A_339 = arith.constant 0 : i32
    %dma_wait3A_340 = tpu.memref_slice %arg9[%dma_wait3A_338, %dma_wait3A_339] : memref<40x512xi32, #tpu.memory_space<vmem>> -> memref<32x512xi32, #tpu.memory_space<vmem>>
    %dma_wait3A_341 = arith.constant 160 : i32
    %dma_wait3A_342 = tpu.memref_slice %arg2[%dma_wait3A_341, %mul3A_2] : memref<200x16384xi32, #tpu.memory_space<hbm>> -> memref<32x512xi32, #tpu.memory_space<hbm>>
    %dma_wait3A_343 = arith.constant 0 : i32
    %dma_wait3A_344 = arith.constant 0 : i32
    %dma_wait3A_345 = tpu.memref_slice %arg9[%dma_wait3A_343, %dma_wait3A_344] : memref<40x512xi32, #tpu.memory_space<vmem>> -> memref<32x512xi32, #tpu.memory_space<vmem>>
    %dma_wait3A_346 = arith.constant 160 : i32
    %dma_wait3A_347 = tpu.memref_slice %arg2[%dma_wait3A_346, %mul3A_2] : memref<200x16384xi32, #tpu.memory_space<hbm>> -> memref<32x512xi32, #tpu.memory_space<hbm>>
    tpu.wait_dma2 semaphore(%arg15 : memref<!tpu.dma_semaphore, #tpu.memory_space<semaphore_mem>>) src(%dma_wait3A_347 : memref<32x512xi32, #tpu.memory_space<hbm>>) dst(%dma_wait3A_345 : memref<32x512xi32, #tpu.memory_space<vmem>>)
    %dma_wait3A_348 = arith.constant 0 : i32
    %dma_wait3A_349 = arith.constant 0 : i32
    %dma_wait3A_350 = tpu.memref_slice %arg11[%dma_wait3A_348, %dma_wait3A_349] : memref<40x512xi32, #tpu.memory_space<vmem>> -> memref<32x512xi32, #tpu.memory_space<vmem>>
    %dma_wait3A_351 = arith.constant 160 : i32
    %dma_wait3A_352 = tpu.memref_slice %arg3[%dma_wait3A_351, %mul3A_2] : memref<200x16384xi32, #tpu.memory_space<hbm>> -> memref<32x512xi32, #tpu.memory_space<hbm>>
    %dma_wait3A_353 = arith.constant 0 : i32
    %dma_wait3A_354 = arith.constant 0 : i32
    %dma_wait3A_355 = tpu.memref_slice %arg11[%dma_wait3A_353, %dma_wait3A_354] : memref<40x512xi32, #tpu.memory_space<vmem>> -> memref<32x512xi32, #tpu.memory_space<vmem>>
    %dma_wait3A_356 = arith.constant 160 : i32
    %dma_wait3A_357 = tpu.memref_slice %arg3[%dma_wait3A_356, %mul3A_2] : memref<200x16384xi32, #tpu.memory_space<hbm>> -> memref<32x512xi32, #tpu.memory_space<hbm>>
    tpu.wait_dma2 semaphore(%arg17 : memref<!tpu.dma_semaphore, #tpu.memory_space<semaphore_mem>>) src(%dma_wait3A_357 : memref<32x512xi32, #tpu.memory_space<hbm>>) dst(%dma_wait3A_355 : memref<32x512xi32, #tpu.memory_space<vmem>>)
    %dma_wait3A_358 = arith.constant 0 : i32
    %dma_wait3A_359 = arith.constant 0 : i32
    %dma_wait3A_360 = tpu.memref_slice %arg13[%dma_wait3A_358, %dma_wait3A_359] : memref<40x512xf32, #tpu.memory_space<vmem>> -> memref<40x512xf32, #tpu.memory_space<vmem>>
    %dma_wait3A_361 = arith.constant 80 : i32
    %dma_wait3A_362 = tpu.memref_slice %arg5[%dma_wait3A_361, %mul3A_2] : memref<200x16384xf32, #tpu.memory_space<hbm>> -> memref<40x512xf32, #tpu.memory_space<hbm>>
    %dma_wait3A_363 = arith.constant 80 : i32
    %dma_wait3A_364 = tpu.memref_slice %arg5[%dma_wait3A_363, %mul3A_2] : memref<200x16384xf32, #tpu.memory_space<hbm>> -> memref<40x512xf32, #tpu.memory_space<hbm>>
    %dma_wait3A_365 = arith.constant 0 : i32
    %dma_wait3A_366 = arith.constant 0 : i32
    %dma_wait3A_367 = tpu.memref_slice %arg13[%dma_wait3A_365, %dma_wait3A_366] : memref<40x512xf32, #tpu.memory_space<vmem>> -> memref<40x512xf32, #tpu.memory_space<vmem>>
    tpu.wait_dma2 semaphore(%arg19 : memref<!tpu.dma_semaphore, #tpu.memory_space<semaphore_mem>>) src(%dma_wait3A_367 : memref<40x512xf32, #tpu.memory_space<vmem>>) dst(%dma_wait3A_364 : memref<40x512xf32, #tpu.memory_space<hbm>>)
    %parallel_loop3A_368 = arith.constant 0 : i32
    %parallel_loop3A_369 = arith.constant 1024 : i32
    %parallel_loop3A_370 = arith.constant 1 : i32
    scf.for %parallel_loop3A_444 = %parallel_loop3A_368 to %parallel_loop3A_369 step %parallel_loop3A_370  : i32 {
      %parallel_loop3A_445 = arith.constant 32 : i32
      %parallel_loop3A_446 = arith.divsi %parallel_loop3A_444, %parallel_loop3A_445 : i32
      %parallel_loop3A_447 = arith.constant 0 : i32
      %parallel_loop3A_448 = arith.cmpi sgt, %parallel_loop3A_444, %parallel_loop3A_447 : i32
      %parallel_loop3A_449 = arith.extui %parallel_loop3A_448 : i1 to i32
      %parallel_loop3A_450 = arith.constant 0 : i32
      %parallel_loop3A_451 = arith.cmpi slt, %parallel_loop3A_444, %parallel_loop3A_450 : i32
      %parallel_loop3A_452 = arith.extui %parallel_loop3A_451 : i1 to i32
      %parallel_loop3A_453 = arith.subi %parallel_loop3A_449, %parallel_loop3A_452 : i32
      %parallel_loop3A_454 = arith.constant 0 : i32
      %parallel_loop3A_455 = arith.cmpi sgt, %parallel_loop3A_445, %parallel_loop3A_454 : i32
      %parallel_loop3A_456 = arith.extui %parallel_loop3A_455 : i1 to i32
      %parallel_loop3A_457 = arith.constant 0 : i32
      %parallel_loop3A_458 = arith.cmpi slt, %parallel_loop3A_445, %parallel_loop3A_457 : i32
      %parallel_loop3A_459 = arith.extui %parallel_loop3A_458 : i1 to i32
      %parallel_loop3A_460 = arith.subi %parallel_loop3A_456, %parallel_loop3A_459 : i32
      %parallel_loop3A_461 = arith.cmpi ne, %parallel_loop3A_453, %parallel_loop3A_460 : i32
      %parallel_loop3A_462 = arith.remsi %parallel_loop3A_444, %parallel_loop3A_445 : i32
      %parallel_loop3A_463 = arith.constant 0 : i32
      %parallel_loop3A_464 = arith.cmpi ne, %parallel_loop3A_462, %parallel_loop3A_463 : i32
      %parallel_loop3A_465 = arith.andi %parallel_loop3A_461, %parallel_loop3A_464 : i1
      %parallel_loop3A_466 = arith.constant 1 : i32
      %parallel_loop3A_467 = arith.subi %parallel_loop3A_446, %parallel_loop3A_466 : i32
      %parallel_loop3A_468 = arith.select %parallel_loop3A_465, %parallel_loop3A_467, %parallel_loop3A_446 : i32
      %parallel_loop3A_469 = arith.constant 32 : i32
      %parallel_loop3A_470 = arith.constant 0 : i32
      %parallel_loop3A_471 = arith.cmpi eq, %parallel_loop3A_469, %parallel_loop3A_470 : i32
      %parallel_loop3A_472 = arith.constant 1 : i32
      %parallel_loop3A_473 = arith.select %parallel_loop3A_471, %parallel_loop3A_472, %parallel_loop3A_469 : i32
      %parallel_loop3A_474 = arith.remsi %parallel_loop3A_444, %parallel_loop3A_473 : i32
      %parallel_loop3A_475 = arith.constant 0 : i32
      %parallel_loop3A_476 = arith.cmpi ne, %parallel_loop3A_474, %parallel_loop3A_475 : i32
      %parallel_loop3A_477 = arith.constant 0 : i32
      %parallel_loop3A_478 = arith.cmpi slt, %parallel_loop3A_474, %parallel_loop3A_477 : i32
      %parallel_loop3A_479 = arith.constant 0 : i32
      %parallel_loop3A_480 = arith.cmpi slt, %parallel_loop3A_473, %parallel_loop3A_479 : i32
      %parallel_loop3A_481 = arith.xori %parallel_loop3A_478, %parallel_loop3A_480 : i1
      %parallel_loop3A_482 = arith.andi %parallel_loop3A_481, %parallel_loop3A_476 : i1
      %parallel_loop3A_483 = arith.addi %parallel_loop3A_474, %parallel_loop3A_473 : i32
      %parallel_loop3A_484 = arith.select %parallel_loop3A_482, %parallel_loop3A_483, %parallel_loop3A_474 : i32
      %parallel_loop3A_485 = arith.constant 16 : i32
      %parallel_loop3A_486 = arith.muli %parallel_loop3A_484, %parallel_loop3A_485 : i32
      %parallel_loop3A_487 = arith.index_cast %parallel_loop3A_468 : i32 to index
      %parallel_loop3A_488 = arith.index_cast %parallel_loop3A_486 : i32 to index
      %parallel_loop3A_489 = tpu.vector_load %arg9[%parallel_loop3A_487, %parallel_loop3A_488] {strides = array<i32>} : memref<40x512xi32, #tpu.memory_space<vmem>>, vector<16xi32>,
      %parallel_loop3A_490 = arith.index_cast %parallel_loop3A_468 : i32 to index
      %parallel_loop3A_491 = arith.index_cast %parallel_loop3A_486 : i32 to index
      %parallel_loop3A_492 = tpu.vector_load %arg11[%parallel_loop3A_490, %parallel_loop3A_491] {strides = array<i32>} : memref<40x512xi32, #tpu.memory_space<vmem>>, vector<16xi32>,
      %parallel_loop3A_493 = arith.constant 32 : i32
      %parallel_loop3A_494 = vector.broadcast %parallel_loop3A_493 : i32 to vector<16xi32>
      %parallel_loop3A_495 = arith.muli %parallel_loop3A_489, %parallel_loop3A_494 : vector<16xi32>
      %parallel_loop3A_496 = arith.addi %parallel_loop3A_495, %parallel_loop3A_492 : vector<16xi32>
      %parallel_loop3A_497 = tpu.vector_load_idx %arg7[%parallel_loop3A_496] : memref<1024xf32, #tpu.memory_space<vmem>>[vector<16xi32>], vector<16xf32>,
      %parallel_loop3A_498 = arith.index_cast %parallel_loop3A_468 : i32 to index
      %parallel_loop3A_499 = arith.index_cast %parallel_loop3A_486 : i32 to index
      %parallel_loop3A_500 = tpu.vector_load %arg13[%parallel_loop3A_498, %parallel_loop3A_499] {strides = array<i32>} : memref<40x512xf32, #tpu.memory_space<vmem>>, vector<16xf32>,
      tpu.vector_store %arg13[%parallel_loop3A_498, %parallel_loop3A_499], %parallel_loop3A_497 {strides = array<i32>} : memref<40x512xf32, #tpu.memory_space<vmem>>, vector<16xf32>,
    } {sc.loop_unroll_factor = 4 : i64, sc.parallel_access}
    %dma_start3A_371 = arith.constant 0 : i32
    %dma_start3A_372 = arith.constant 0 : i32
    %dma_start3A_373 = tpu.memref_slice %arg13[%dma_start3A_371, %dma_start3A_372] : memref<40x512xf32, #tpu.memory_space<vmem>> -> memref<32x512xf32, #tpu.memory_space<vmem>>
    %dma_start3A_374 = arith.constant 160 : i32
    %dma_start3A_375 = tpu.memref_slice %arg5[%dma_start3A_374, %mul3A_2] : memref<200x16384xf32, #tpu.memory_space<hbm>> -> memref<32x512xf32, #tpu.memory_space<hbm>>
    %dma_start3A_376 = arith.constant 160 : i32
    %dma_start3A_377 = tpu.memref_slice %arg5[%dma_start3A_376, %mul3A_2] : memref<200x16384xf32, #tpu.memory_space<hbm>> -> memref<32x512xf32, #tpu.memory_space<hbm>>
    %dma_start3A_378 = arith.constant 0 : i32
    %dma_start3A_379 = arith.constant 0 : i32
    %dma_start3A_380 = tpu.memref_slice %arg13[%dma_start3A_378, %dma_start3A_379] : memref<40x512xf32, #tpu.memory_space<vmem>> -> memref<32x512xf32, #tpu.memory_space<vmem>>
    tpu.enqueue_dma source(%dma_start3A_380 : memref<32x512xf32, #tpu.memory_space<vmem>>) target(%dma_start3A_377 : memref<32x512xf32, #tpu.memory_space<hbm>>) target_semaphore(%arg19 : memref<!tpu.dma_semaphore, #tpu.memory_space<semaphore_mem>>)
    %dma_wait3A_381 = arith.constant 0 : i32
    %dma_wait3A_382 = arith.constant 0 : i32
    %dma_wait3A_383 = tpu.memref_slice %arg8[%dma_wait3A_381, %dma_wait3A_382] : memref<40x512xi32, #tpu.memory_space<vmem>> -> memref<8x512xi32, #tpu.memory_space<vmem>>
    %dma_wait3A_384 = arith.constant 192 : i32
    %dma_wait3A_385 = tpu.memref_slice %arg2[%dma_wait3A_384, %mul3A_2] : memref<200x16384xi32, #tpu.memory_space<hbm>> -> memref<8x512xi32, #tpu.memory_space<hbm>>
    %dma_wait3A_386 = arith.constant 0 : i32
    %dma_wait3A_387 = arith.constant 0 : i32
    %dma_wait3A_388 = tpu.memref_slice %arg8[%dma_wait3A_386, %dma_wait3A_387] : memref<40x512xi32, #tpu.memory_space<vmem>> -> memref<8x512xi32, #tpu.memory_space<vmem>>
    %dma_wait3A_389 = arith.constant 192 : i32
    %dma_wait3A_390 = tpu.memref_slice %arg2[%dma_wait3A_389, %mul3A_2] : memref<200x16384xi32, #tpu.memory_space<hbm>> -> memref<8x512xi32, #tpu.memory_space<hbm>>
    tpu.wait_dma2 semaphore(%arg14 : memref<!tpu.dma_semaphore, #tpu.memory_space<semaphore_mem>>) src(%dma_wait3A_390 : memref<8x512xi32, #tpu.memory_space<hbm>>) dst(%dma_wait3A_388 : memref<8x512xi32, #tpu.memory_space<vmem>>)
    %dma_wait3A_391 = arith.constant 0 : i32
    %dma_wait3A_392 = arith.constant 0 : i32
    %dma_wait3A_393 = tpu.memref_slice %arg10[%dma_wait3A_391, %dma_wait3A_392] : memref<40x512xi32, #tpu.memory_space<vmem>> -> memref<8x512xi32, #tpu.memory_space<vmem>>
    %dma_wait3A_394 = arith.constant 192 : i32
    %dma_wait3A_395 = tpu.memref_slice %arg3[%dma_wait3A_394, %mul3A_2] : memref<200x16384xi32, #tpu.memory_space<hbm>> -> memref<8x512xi32, #tpu.memory_space<hbm>>
    %dma_wait3A_396 = arith.constant 0 : i32
    %dma_wait3A_397 = arith.constant 0 : i32
    %dma_wait3A_398 = tpu.memref_slice %arg10[%dma_wait3A_396, %dma_wait3A_397] : memref<40x512xi32, #tpu.memory_space<vmem>> -> memref<8x512xi32, #tpu.memory_space<vmem>>
    %dma_wait3A_399 = arith.constant 192 : i32
    %dma_wait3A_400 = tpu.memref_slice %arg3[%dma_wait3A_399, %mul3A_2] : memref<200x16384xi32, #tpu.memory_space<hbm>> -> memref<8x512xi32, #tpu.memory_space<hbm>>
    tpu.wait_dma2 semaphore(%arg16 : memref<!tpu.dma_semaphore, #tpu.memory_space<semaphore_mem>>) src(%dma_wait3A_400 : memref<8x512xi32, #tpu.memory_space<hbm>>) dst(%dma_wait3A_398 : memref<8x512xi32, #tpu.memory_space<vmem>>)
    %dma_wait3A_401 = arith.constant 0 : i32
    %dma_wait3A_402 = arith.constant 0 : i32
    %dma_wait3A_403 = tpu.memref_slice %arg12[%dma_wait3A_401, %dma_wait3A_402] : memref<40x512xf32, #tpu.memory_space<vmem>> -> memref<40x512xf32, #tpu.memory_space<vmem>>
    %dma_wait3A_404 = arith.constant 120 : i32
    %dma_wait3A_405 = tpu.memref_slice %arg5[%dma_wait3A_404, %mul3A_2] : memref<200x16384xf32, #tpu.memory_space<hbm>> -> memref<40x512xf32, #tpu.memory_space<hbm>>
    %dma_wait3A_406 = arith.constant 120 : i32
    %dma_wait3A_407 = tpu.memref_slice %arg5[%dma_wait3A_406, %mul3A_2] : memref<200x16384xf32, #tpu.memory_space<hbm>> -> memref<40x512xf32, #tpu.memory_space<hbm>>
    %dma_wait3A_408 = arith.constant 0 : i32
    %dma_wait3A_409 = arith.constant 0 : i32
    %dma_wait3A_410 = tpu.memref_slice %arg12[%dma_wait3A_408, %dma_wait3A_409] : memref<40x512xf32, #tpu.memory_space<vmem>> -> memref<40x512xf32, #tpu.memory_space<vmem>>
    tpu.wait_dma2 semaphore(%arg18 : memref<!tpu.dma_semaphore, #tpu.memory_space<semaphore_mem>>) src(%dma_wait3A_410 : memref<40x512xf32, #tpu.memory_space<vmem>>) dst(%dma_wait3A_407 : memref<40x512xf32, #tpu.memory_space<hbm>>)
    %parallel_loop3A_411 = arith.constant 0 : i32
    %parallel_loop3A_412 = arith.constant 256 : i32
    %parallel_loop3A_413 = arith.constant 1 : i32
    scf.for %parallel_loop3A_444 = %parallel_loop3A_411 to %parallel_loop3A_412 step %parallel_loop3A_413  : i32 {
      %parallel_loop3A_445 = arith.constant 32 : i32
      %parallel_loop3A_446 = arith.divsi %parallel_loop3A_444, %parallel_loop3A_445 : i32
      %parallel_loop3A_447 = arith.constant 0 : i32
      %parallel_loop3A_448 = arith.cmpi sgt, %parallel_loop3A_444, %parallel_loop3A_447 : i32
      %parallel_loop3A_449 = arith.extui %parallel_loop3A_448 : i1 to i32
      %parallel_loop3A_450 = arith.constant 0 : i32
      %parallel_loop3A_451 = arith.cmpi slt, %parallel_loop3A_444, %parallel_loop3A_450 : i32
      %parallel_loop3A_452 = arith.extui %parallel_loop3A_451 : i1 to i32
      %parallel_loop3A_453 = arith.subi %parallel_loop3A_449, %parallel_loop3A_452 : i32
      %parallel_loop3A_454 = arith.constant 0 : i32
      %parallel_loop3A_455 = arith.cmpi sgt, %parallel_loop3A_445, %parallel_loop3A_454 : i32
      %parallel_loop3A_456 = arith.extui %parallel_loop3A_455 : i1 to i32
      %parallel_loop3A_457 = arith.constant 0 : i32
      %parallel_loop3A_458 = arith.cmpi slt, %parallel_loop3A_445, %parallel_loop3A_457 : i32
      %parallel_loop3A_459 = arith.extui %parallel_loop3A_458 : i1 to i32
      %parallel_loop3A_460 = arith.subi %parallel_loop3A_456, %parallel_loop3A_459 : i32
      %parallel_loop3A_461 = arith.cmpi ne, %parallel_loop3A_453, %parallel_loop3A_460 : i32
      %parallel_loop3A_462 = arith.remsi %parallel_loop3A_444, %parallel_loop3A_445 : i32
      %parallel_loop3A_463 = arith.constant 0 : i32
      %parallel_loop3A_464 = arith.cmpi ne, %parallel_loop3A_462, %parallel_loop3A_463 : i32
      %parallel_loop3A_465 = arith.andi %parallel_loop3A_461, %parallel_loop3A_464 : i1
      %parallel_loop3A_466 = arith.constant 1 : i32
      %parallel_loop3A_467 = arith.subi %parallel_loop3A_446, %parallel_loop3A_466 : i32
      %parallel_loop3A_468 = arith.select %parallel_loop3A_465, %parallel_loop3A_467, %parallel_loop3A_446 : i32
      %parallel_loop3A_469 = arith.constant 32 : i32
      %parallel_loop3A_470 = arith.constant 0 : i32
      %parallel_loop3A_471 = arith.cmpi eq, %parallel_loop3A_469, %parallel_loop3A_470 : i32
      %parallel_loop3A_472 = arith.constant 1 : i32
      %parallel_loop3A_473 = arith.select %parallel_loop3A_471, %parallel_loop3A_472, %parallel_loop3A_469 : i32
      %parallel_loop3A_474 = arith.remsi %parallel_loop3A_444, %parallel_loop3A_473 : i32
      %parallel_loop3A_475 = arith.constant 0 : i32
      %parallel_loop3A_476 = arith.cmpi ne, %parallel_loop3A_474, %parallel_loop3A_475 : i32
      %parallel_loop3A_477 = arith.constant 0 : i32
      %parallel_loop3A_478 = arith.cmpi slt, %parallel_loop3A_474, %parallel_loop3A_477 : i32
      %parallel_loop3A_479 = arith.constant 0 : i32
      %parallel_loop3A_480 = arith.cmpi slt, %parallel_loop3A_473, %parallel_loop3A_479 : i32
      %parallel_loop3A_481 = arith.xori %parallel_loop3A_478, %parallel_loop3A_480 : i1
      %parallel_loop3A_482 = arith.andi %parallel_loop3A_481, %parallel_loop3A_476 : i1
      %parallel_loop3A_483 = arith.addi %parallel_loop3A_474, %parallel_loop3A_473 : i32
      %parallel_loop3A_484 = arith.select %parallel_loop3A_482, %parallel_loop3A_483, %parallel_loop3A_474 : i32
      %parallel_loop3A_485 = arith.constant 16 : i32
      %parallel_loop3A_486 = arith.muli %parallel_loop3A_484, %parallel_loop3A_485 : i32
      %parallel_loop3A_487 = arith.index_cast %parallel_loop3A_468 : i32 to index
      %parallel_loop3A_488 = arith.index_cast %parallel_loop3A_486 : i32 to index
      %parallel_loop3A_489 = tpu.vector_load %arg8[%parallel_loop3A_487, %parallel_loop3A_488] {strides = array<i32>} : memref<40x512xi32, #tpu.memory_space<vmem>>, vector<16xi32>,
      %parallel_loop3A_490 = arith.index_cast %parallel_loop3A_468 : i32 to index
      %parallel_loop3A_491 = arith.index_cast %parallel_loop3A_486 : i32 to index
      %parallel_loop3A_492 = tpu.vector_load %arg10[%parallel_loop3A_490, %parallel_loop3A_491] {strides = array<i32>} : memref<40x512xi32, #tpu.memory_space<vmem>>, vector<16xi32>,
      %parallel_loop3A_493 = arith.constant 32 : i32
      %parallel_loop3A_494 = vector.broadcast %parallel_loop3A_493 : i32 to vector<16xi32>
      %parallel_loop3A_495 = arith.muli %parallel_loop3A_489, %parallel_loop3A_494 : vector<16xi32>
      %parallel_loop3A_496 = arith.addi %parallel_loop3A_495, %parallel_loop3A_492 : vector<16xi32>
      %parallel_loop3A_497 = tpu.vector_load_idx %arg7[%parallel_loop3A_496] : memref<1024xf32, #tpu.memory_space<vmem>>[vector<16xi32>], vector<16xf32>,
      %parallel_loop3A_498 = arith.index_cast %parallel_loop3A_468 : i32 to index
      %parallel_loop3A_499 = arith.index_cast %parallel_loop3A_486 : i32 to index
      %parallel_loop3A_500 = tpu.vector_load %arg12[%parallel_loop3A_498, %parallel_loop3A_499] {strides = array<i32>} : memref<40x512xf32, #tpu.memory_space<vmem>>, vector<16xf32>,
      tpu.vector_store %arg12[%parallel_loop3A_498, %parallel_loop3A_499], %parallel_loop3A_497 {strides = array<i32>} : memref<40x512xf32, #tpu.memory_space<vmem>>, vector<16xf32>,
    } {sc.loop_unroll_factor = 4 : i64, sc.parallel_access}
    %dma_start3A_414 = arith.constant 0 : i32
    %dma_start3A_415 = arith.constant 0 : i32
    %dma_start3A_416 = tpu.memref_slice %arg12[%dma_start3A_414, %dma_start3A_415] : memref<40x512xf32, #tpu.memory_space<vmem>> -> memref<8x512xf32, #tpu.memory_space<vmem>>
    %dma_start3A_417 = arith.constant 192 : i32
    %dma_start3A_418 = tpu.memref_slice %arg5[%dma_start3A_417, %mul3A_2] : memref<200x16384xf32, #tpu.memory_space<hbm>> -> memref<8x512xf32, #tpu.memory_space<hbm>>
    %dma_start3A_419 = arith.constant 192 : i32
    %dma_start3A_420 = tpu.memref_slice %arg5[%dma_start3A_419, %mul3A_2] : memref<200x16384xf32, #tpu.memory_space<hbm>> -> memref<8x512xf32, #tpu.memory_space<hbm>>
    %dma_start3A_421 = arith.constant 0 : i32
    %dma_start3A_422 = arith.constant 0 : i32
    %dma_start3A_423 = tpu.memref_slice %arg12[%dma_start3A_421, %dma_start3A_422] : memref<40x512xf32, #tpu.memory_space<vmem>> -> memref<8x512xf32, #tpu.memory_space<vmem>>
    tpu.enqueue_dma source(%dma_start3A_423 : memref<8x512xf32, #tpu.memory_space<vmem>>) target(%dma_start3A_420 : memref<8x512xf32, #tpu.memory_space<hbm>>) target_semaphore(%arg18 : memref<!tpu.dma_semaphore, #tpu.memory_space<semaphore_mem>>)
    %dma_wait3A_424 = arith.constant 0 : i32
    %dma_wait3A_425 = arith.constant 0 : i32
    %dma_wait3A_426 = tpu.memref_slice %arg13[%dma_wait3A_424, %dma_wait3A_425] : memref<40x512xf32, #tpu.memory_space<vmem>> -> memref<32x512xf32, #tpu.memory_space<vmem>>
    %dma_wait3A_427 = arith.constant 160 : i32
    %dma_wait3A_428 = tpu.memref_slice %arg5[%dma_wait3A_427, %mul3A_2] : memref<200x16384xf32, #tpu.memory_space<hbm>> -> memref<32x512xf32, #tpu.memory_space<hbm>>
    %dma_wait3A_429 = arith.constant 160 : i32
    %dma_wait3A_430 = tpu.memref_slice %arg5[%dma_wait3A_429, %mul3A_2] : memref<200x16384xf32, #tpu.memory_space<hbm>> -> memref<32x512xf32, #tpu.memory_space<hbm>>
    %dma_wait3A_431 = arith.constant 0 : i32
    %dma_wait3A_432 = arith.constant 0 : i32
    %dma_wait3A_433 = tpu.memref_slice %arg13[%dma_wait3A_431, %dma_wait3A_432] : memref<40x512xf32, #tpu.memory_space<vmem>> -> memref<32x512xf32, #tpu.memory_space<vmem>>
    tpu.wait_dma2 semaphore(%arg19 : memref<!tpu.dma_semaphore, #tpu.memory_space<semaphore_mem>>) src(%dma_wait3A_433 : memref<32x512xf32, #tpu.memory_space<vmem>>) dst(%dma_wait3A_430 : memref<32x512xf32, #tpu.memory_space<hbm>>)
    %dma_wait3A_434 = arith.constant 0 : i32
    %dma_wait3A_435 = arith.constant 0 : i32
    %dma_wait3A_436 = tpu.memref_slice %arg12[%dma_wait3A_434, %dma_wait3A_435] : memref<40x512xf32, #tpu.memory_space<vmem>> -> memref<8x512xf32, #tpu.memory_space<vmem>>
    %dma_wait3A_437 = arith.constant 192 : i32
    %dma_wait3A_438 = tpu.memref_slice %arg5[%dma_wait3A_437, %mul3A_2] : memref<200x16384xf32, #tpu.memory_space<hbm>> -> memref<8x512xf32, #tpu.memory_space<hbm>>
    %dma_wait3A_439 = arith.constant 192 : i32
    %dma_wait3A_440 = tpu.memref_slice %arg5[%dma_wait3A_439, %mul3A_2] : memref<200x16384xf32, #tpu.memory_space<hbm>> -> memref<8x512xf32, #tpu.memory_space<hbm>>
    %dma_wait3A_441 = arith.constant 0 : i32
    %dma_wait3A_442 = arith.constant 0 : i32
    %dma_wait3A_443 = tpu.memref_slice %arg12[%dma_wait3A_441, %dma_wait3A_442] : memref<40x512xf32, #tpu.memory_space<vmem>> -> memref<8x512xf32, #tpu.memory_space<vmem>>
    tpu.wait_dma2 semaphore(%arg18 : memref<!tpu.dma_semaphore, #tpu.memory_space<semaphore_mem>>) src(%dma_wait3A_443 : memref<8x512xf32, #tpu.memory_space<vmem>>) dst(%dma_wait3A_440 : memref<8x512xf32, #tpu.memory_space<hbm>>)
    return
  }
}

</mosaic_0001>

<sc_bundles>
// kernel: kernel.3.cloned.1.call-start
scs
__scs_entry_jumppad:
0x0: {  	(pc) =	sbr.rel $0x88, $3  }
0x1: {  	(tag) =	ssettag $0x0;
	lr =	simm.s32 $0x1  }
0x2: {  	[smem:$0x3F9E] =	sst lr;
	_ =	strace $0xD0000000  }
0x3: {  	_ = 	snop  }
0x4: {  	_ = 	snop  }
0x5: {  	_ = 	snop  }
0x6: {  	_ = 	snop  }
0x7: {  	_ = 	snop  }
__scs_overlays_trampoline_lowered:
0x8: {  	[smem:$0x3FAD] =	sst s0  }
0x9: {  	[smem:$0x3FAE] =	sst s1  }
0xa: {  	[smem:$0x3FAF] =	sst s2  }
0xb: {  	[smem:$0x3FB0] =	sst s3  }
0xc: {  	[smem:$0x3FB1] =	sst s4  }
0xd: {  	[smem:$0x3FB2] =	sst s5  }
0xe: {  	[smem:$0x3FB3] =	sst s6  }
0xf: {  	[smem:$0x3FB4] =	sst s7  }
0x10: {  	[smem:$0x3FB5] =	sst s8  }
0x11: {  	[smem:$0x3FB6] =	sst s9;
	s0 =	simm.s32 @!p0 $0x0  }
0x12: {  	s1 =	sld [smem:$0x3F9C];
	s0 =	simm.s32 @p0 $0x1  }
0x13: {  	[smem:$0x3FB7] =	sst s0;
	s0 =	simm.s32 @!p1 $0x0  }
0x14: {  	s2 =	sld [smem:$0x3F9B];
	s0 =	simm.s32 @p1 $0x1  }
0x15: {  	[smem:$0x3FB8] =	sst s0;
	s0 =	simm.s32 @!p2 $0x0  }
0x16: {  	s3 =	sld [smem:$0x3FDB];
	s0 =	simm.s32 @p2 $0x1  }
0x17: {  	s4 =	simm.s32 $0x1BF5;
	[smem:$0x3FBA] =	sst s0  }
0x18: {  	s0 =	sld [smem:$0x3F9D];
	_ =	swait.ge [sflag:s4], $0x0  }
0x19: {  	s7 =	sld [smem:$0x3F9E]  }
0x1a: {  	s8 =	sadd.s32 $0xFFFFE003, lr  }
0x1b: {  	s9 =	sadd.s32 $0xFFFFFEF7, lr;
	s5 =	simm.s32 $0xFFFFFFFF;
	p2 =	slt.u32 s8, $0xFFFFF086  }
0x1c: {  	p1 =	slt.u32 s9, $0xF7A;
	s5 =	simm.s32 @!p2 $0x0  }
0x1d: {  	s5 =	simm.s32 @p1 $0x1;
	p0 =	seq.s32 s7, s2  }
0x1e: {  	s7 =	smul.u32 @!p0 $0xF7A, s2;
	p2 =	seq.s32 @!p0 s5, $0x0  }
0x1f: {  	s9 =	smul.u32 $0xF7A, s1;
	s8 =	simm.s32 @!p0 $0x1BF5;
	p2 =	por !p2, p0  }
0x20: {  	[sflag:s8] =	ssyncset.s32 @!p0 $0xFFFFF086;
	s6 =	sadd.s32 @!p0 s3, s7;
	s7 =	simm.s32 @!p0 $0x108  }
0x21: {  	s3 =	sadd.s32 s3, s9;
	s6 =	sadd.s32 @!p0 $0x88, s6;
	s7 =	simm.s32 @p2 $0x1082  }
0x22: {  	[simem:s7], [sflag:s8] =	dma.local @!p0 [hbm:s6], $0xF7A  }
0x23: {  	s9 =	sor.u32 $0xD0000000, s2;
	s6 =	simm.s32 $0x108;
	_ =	swait.ge @!p0 [sflag:s8], $0x0  }
0x24: {  	s3 =	sadd.s32 $0x88, s3;
	s6 =	simm.s32 @!p1 $0x1082;
	[sflag:s4] =	ssyncset.s32 $0xFFFFF086  }
0x25: {  	[simem:s6], [sflag:s4] =	dma.local [hbm:s3], $0xF7A  }
0x26: {  	[smem:$0x3F9E] =	sst s1;
	(tag) =	ssettag s2;
	_ =	strace s9  }
0x27: {  	s1 =	sld [smem:$0x3FAE]  }
0x28: {  	s2 =	sld [smem:$0x3FAF]  }
0x29: {  	s4 =	sld [smem:$0x3FB1]  }
0x2a: {  	p0 =	seq.s32 s5, $0x0;
	s5 =	sld [smem:$0x3FB2]  }
0x2b: {  	s6 =	sld [smem:$0x3FB3]  }
0x2c: {  	s7 =	sld [smem:$0x3FB4]  }
0x2d: {  	s3 =	simm.s32 $0x108;
	s8 =	sld [smem:$0x3FB5]  }
0x2e: {  	s3 =	simm.s32 @!p0 $0x1082;
	s9 =	sld [smem:$0x3FB6]  }
0x2f: {  	lr =	sadd.s32 s0, s3;
	s0 =	sld [smem:$0x3FAD]  }
0x30: {  	s3 =	sld [smem:$0x3FB0]  }
0x31: {  	[smem:$0x3FB9] =	sst s10  }
0x32: {  	s10 =	sld [smem:$0x3FB7];
	_ =	sdelay $0x3  }
0x33: {  	p0 =	seq.s32 s10, $0x1;
	s10 =	sld [smem:$0x3FB9];
	_ =	sdelay $0x3  }
0x34: {  	[smem:$0x3FB9] =	sst s10  }
0x35: {  	s10 =	sld [smem:$0x3FB8];
	_ =	sdelay $0x3  }
0x36: {  	p1 =	seq.s32 s10, $0x1;
	s10 =	sld [smem:$0x3FB9];
	_ =	sdelay $0x3  }
0x37: {  	[smem:$0x3FB9] =	sst s10  }
0x38: {  	s10 =	sld [smem:$0x3FBA]  }
0x39: {  	_ = 	snop;
	(pc) =	sbr.ind lr, $3  }
0x3a: {  	_ = 	snop  }
0x3b: {  	_ = 	snop  }
0x3c: {  	p2 =	seq.s32 s10, $0x1;
	s10 =	sld [smem:$0x3FB9]  }
0x3d: {  	_ =	shalt  }
0x3e: {  	_ =	shalt  }
0x3f: {  	_ =	shalt  }
0x40: {  	_ =	shalt  }
0x41: {  	_ =	shalt  }
0x42: {  	_ =	shalt  }
0x43: {  	_ =	shalt  }
0x44: {  	_ =	shalt  }
0x45: {  	_ =	shalt  }
0x46: {  	_ =	shalt  }
0x47: {  	_ =	shalt  }
0x48: {  	_ =	shalt  }
0x49: {  	_ =	shalt  }
0x4a: {  	_ =	shalt  }
0x4b: {  	_ =	shalt  }
0x4c: {  	_ =	shalt  }
0x4d: {  	_ =	shalt  }
0x4e: {  	_ =	shalt  }
0x4f: {  	_ =	shalt  }
0x50: {  	_ =	shalt  }
0x51: {  	_ =	shalt  }
0x52: {  	_ =	shalt  }
0x53: {  	_ =	shalt  }
0x54: {  	_ =	shalt  }
0x55: {  	_ =	shalt  }
0x56: {  	_ =	shalt  }
0x57: {  	_ =	shalt  }
0x58: {  	_ =	shalt  }
0x59: {  	_ =	shalt  }
0x5a: {  	_ =	shalt  }
0x5b: {  	_ =	shalt  }
0x5c: {  	_ =	shalt  }
0x5d: {  	_ =	shalt  }
0x5e: {  	_ =	shalt  }
0x5f: {  	_ =	shalt  }
0x60: {  	_ =	shalt  }
0x61: {  	_ =	shalt  }
0x62: {  	_ =	shalt  }
0x63: {  	_ =	shalt  }
0x64: {  	_ =	shalt  }
0x65: {  	_ =	shalt  }
0x66: {  	_ =	shalt  }
0x67: {  	_ =	shalt  }
0x68: {  	_ =	shalt  }
0x69: {  	_ =	shalt  }
0x6a: {  	_ =	shalt  }
0x6b: {  	_ =	shalt  }
0x6c: {  	_ =	shalt  }
0x6d: {  	_ =	shalt  }
0x6e: {  	_ =	shalt  }
0x6f: {  	_ =	shalt  }
0x70: {  	_ =	shalt  }
0x71: {  	_ =	shalt  }
0x72: {  	_ =	shalt  }
0x73: {  	_ =	shalt  }
0x74: {  	_ =	shalt  }
0x75: {  	_ =	shalt  }
0x76: {  	_ =	shalt  }
0x77: {  	_ =	shalt  }
0x78: {  	_ =	shalt  }
0x79: {  	_ =	shalt  }
0x7a: {  	_ =	shalt  }
0x7b: {  	_ =	shalt  }
0x7c: {  	_ =	shalt  }
0x7d: {  	_ =	shalt  }
0x7e: {  	_ =	shalt  }
0x7f: {  	_ =	shalt  }
0x80: {  	_ =	shalt  }
0x81: {  	_ =	shalt  }
0x82: {  	_ =	shalt  }
0x83: {  	_ =	shalt  }
0x84: {  	_ =	shalt  }
0x85: {  	_ =	shalt  }
0x86: {  	_ =	shalt  }
0x87: {  	_ =	shalt  }
.Lfunc_end0:
.L_simem_size_0:
called_computation_lowered:
.L_overlay_start_0:
0x88: {  	s2 =	sld [smem:$0x3FD9]  }
0x89: {  	s3 =	sld [smem:$0x3FFE];
	_ =	sdelay $0x1  }
0x8a: {  	s1 =	srdreg.scid  }
0x8b: {  	s0 =	sand.u32 $0x1, s1  }
0x8c: {  	s18 =	sshll.u32 s0, $0xA;
	s2 =	sadd.s32 s3, s2  }
0x8d: {  	s2 =	sadd.s32 s2, s18  }
0x8e: {  	[smem:$0x3FC5] =	sst s2  }
0x8f: {  	_ = 	snop  }
0x90: {  	s2 =	sld [smem:$0x3FC9]  }
0x91: {  	s19 =	sld [smem:$0x3FC8]  }
0x92: {  	s4 =	sld [smem:$0x3FC7]  }
0x93: {  	s5 =	sld [smem:$0x3FD0];
	(tm) =	ssettm $0x1  }
0x94: {  	s6 =	sld [smem:$0x3FFB];
	_ =	sdelay $0x3  }
0x95: {  	_ =	strace s6  }
0x96: {  	s6 =	sld [smem:$0x3FFC];
	_ =	sdelay $0x3  }
0x97: {  	_ =	strace s6  }
0x98: {  	s6 =	sld [smem:$0x3FFD];
	_ =	sdelay $0x3  }
0x99: {  	_ =	strace s6  }
0x9a: {  	_ =	strace $0x8FFFFFFF  }
0x9b: {  	s20 =	sld [smem:$0x3FDB];
	_ =	sdelay $0x1  }
0x9c: {  	s7 =	simm.s32 $_scs_section_size  }
0x9d: {  	s8 =	simm.s32 $_size__tile_overlayer_lowered;
	s9 =	simm.s32 $_tile_overlayer_lowered  }
0x9e: {  	s23 =	simm.s32 $0x1BFF;
	s22 =	sshll.u32 s9, $0x1;
	s6 =	sadd.s32 s7, s20  }
0x9f: {  	s10 =	simm.s32 $0x0;
	s21 =	sshll.u32 s8, $0x1;
	s8 =	sadd.s32 s22, s6  }
0xa0: {  	[timem:s10], [sflag:s23] =	dma.local [hbm:s8], s21  }
0xa1: {  	_ =	swait.ge [sflag:s23], s21  }
0xa2: {  	s7 =	ssub.s32 $0x0, s21;
	[sflag:s23] =	ssyncset.done $0x0  }
0xa3: {  	[sflag:s23] =	ssyncadd.s32 s7;
	_ =	sdelay $0x1  }
0xa4: {  	s24 =	simm.s32 $0x1B8B  }
0xa5: {  	_ =	swait.ge [sflag:s24], $0x1  }
0xa6: {  	[sflag:s24] =	ssyncset.done $0x0  }
0xa7: {  	s25 =	simm.s32 $0x1B8E;
	[sflag:s24] =	ssyncadd.s32 $0xFFFFFFFF  }
0xa8: {  	s26 =	simm.s32 $execute0_lowered;
	[smem:$0x3FD2] =	sst s25  }
0xa9: {  	s7 =	sshll.u32 s26, $0x1;
	_ =	strace $0x80000046;
	[dreg:$0x1] =	wrdreg $0xFFFFFFFF  }
0xaa: {  	s28 =	simm.s32 $_size_execute0_lowered;
	s6 =	sadd.s32 s6, s7;
	[dreg:$0x0] =	wrdreg $0x0  }
0xab: {  	s7 =	sshll.u32 s28, $0x1;
	[dreg:$0x2] =	wrdreg s6  }
0xac: {  	[dreg:$0x3] =	wrdreg s7  }
0xad: {  	[dreg:$0x4] =	wrdreg $0xC0  }
0xae: {  	_ =	task [dreg:s10], $0x5FFFF  }
0xaf: {  	[dreg:$0x1] =	wrdreg $0xFFFFFFFF  }
0xb0: {  	[dreg:$0x0] =	wrdreg $0x60  }
0xb1: {  	[dreg:$0x2] =	wrdreg s2  }
0xb2: {  	[dreg:$0x3] =	wrdreg s19  }
0xb3: {  	[dreg:$0x4] =	wrdreg s4  }
0xb4: {  	[dreg:$0x5] =	wrdreg s5  }
0xb5: {  	[dreg:$0x6] =	wrdreg $0x9  }
0xb6: {  	_ =	task.clear_ibuf [dreg:s10], $0x7FFFF;
	_ =	strace $0x90000046  }
0xb7: {  	s29 =	simm.s32 $0x9;
	_ =	strace $0x80000048  }
0xb8: {  	_ =	swait.ge [sflag:s29], $0x1  }
0xb9: {  	[sflag:s29] =	ssyncadd.s32 $0xFFFFFFFF  }
0xba: {  	_ =	strace $0x90000048  }
0xbb: {  	_ =	sfence  }
0xbc: {  	s30 =	sld [smem:$0x0];
	_ =	sdelay $0x2  }
0xbd: {  	s31 =	sshll.u32 s1, $0xD;
	s1 =	sshrl.u32 s1, $0x2  }
0xbe: {  	s3 =	sand.u32 $0x4000, s31;
	s1 =	sadd.s32 s1, s30  }
0xbf: {  	s0 =	sor.u32 s3, s0;
	s1 =	sshll.u32 s1, $0x11  }
0xc0: {  	s0 =	sor.u32 s1, s0  }
0xc1: {  	s0 =	sadd.s32 $0x8F2B, s0  }
0xc2: {  	[sflag:s0] =	ssyncadd.remote.s32 $0x1  }
0xc3: {  	_ =	sfence.sel $0xFFFF  }
0xc4: {  	[dreg:$0x0] =	wrdreg $0xFFFFFFFF;
	(pc) =	sbr.abs _section_cstart, $3  }
0xc5: {  	[dreg:$0x1] =	wrdreg $0xFFFFFFFF  }
0xc6: {  	_ =	task.clear_ibuf [dreg:s10], $0x2FFFF;
	_ =	strace $0x9FFFFFFF  }
0xc7: {  	(tm) =	ssettm $0x7FFFFFFF  }
tec
execute0_lowered:
.L_overlay_start_1:
0x0: {  	(tag) =	ssettag $0x1  }
0x1: {  	s0 =	rddreg [dreg:$0x0];
	s2 =	srdreg.scid  }
0x2: {  	s1 =	rddreg [dreg:$0x1];
	s5 =	stileid.u32;
	s2 =	sand.u32 $0x1, s2  }
0x3: {  	s5 =	sshll.u32 s5, $0xA;
	s4 =	ssub.s32 $0x2, s2;
	s2 =	sshll.u32 s2, $0x9  }
0x4: {  	s3 =	rddreg [dreg:$0x3];
	s2 =	sor.u32 s2, s5  }
0x5: {  	s28 =	simm.s32 $0xB400;
	s29 =	simm.s32 $0x20000;
	s5 =	sadd.s32 s0, s2  }
0x6: {  	s30 =	simm.s32 $0x6400;
	s12 =	sadd.s32 s1, s2;
	[dreg:$0x5] =	wrdreg s5  }
0x7: {  	s11 =	sor.u32 $0x4000, s2;
	s15 =	sadd.s32 s3, s2;
	[dreg:$0x6] =	wrdreg s12  }
0x8: {  	s31 =	simm.s32 $0x10400;
	s13 =	sadd.s32 s0, s11;
	[dreg:$0x9] =	wrdreg s15  }
0x9: {  	s14 =	sor.u32 $0x14000, s2;
	s7 =	sadd.s32 s1, s11;
	[dreg:$0x7] =	wrdreg s13  }
0xa: {  	s9 =	simm.s32 $0x6;
	s16 =	sadd.s32 s0, s14;
	[dreg:$0x8] =	wrdreg s7  }
0xb: {  	s10 =	simm.s32 $0x0;
	s17 =	sadd.s32 s1, s14;
	[dreg:$0xa] =	wrdreg s16  }
0xc: {  	s18 =	sor.u32 $0x28000, s2;
	s5 =	sadd.s32 s3, s11;
	[dreg:$0xb] =	wrdreg s17  }
0xd: {  	s6 =	sshrl.u32 s4, $0x1;
	s19 =	sadd.s32 s0, s18;
	[dreg:$0xc] =	wrdreg s5  }
0xe: {  	s4 =	ssub.s32 s4, s6;
	s20 =	sadd.s32 s1, s18;
	[dreg:$0xd] =	wrdreg s19  }
0xf: {  	s21 =	sor.u32 $0x3C000, s2;
	s6 =	sadd.s32 s3, s14;
	[dreg:$0xe] =	wrdreg s20  }
0x10: {  	s23 =	sor.u32 $0x50000, s2;
	s22 =	sadd.s32 s0, s21;
	[dreg:$0xf] =	wrdreg s6  }
0x11: {  	s2 =	sor.u32 $0x60000, s2;
	s8 =	sadd.s32 s1, s21;
	[dreg:$0x10] =	wrdreg s22  }
0x12: {  	s24 =	sadd.s32 s0, s23;
	s25 =	sadd.s32 s1, s23;
	[dreg:$0x11] =	wrdreg s8  }
0x13: {  	s26 =	sadd.s32 s3, s21;
	s21 =	sadd.s32 s1, s2;
	[dreg:$0x13] =	wrdreg s24  }
0x14: {  	s23 =	sadd.s32 s3, s23;
	s1 =	simm.s32 $0x3;
	[dreg:$0x14] =	wrdreg s25  }
0x15: {  	s5 =	sadd.s32 s3, s18;
	[dreg:$0x15] =	wrdreg s26;
	s20 =	sadd.s32 s0, s2  }
0x16: {  	s22 =	simm.s32 $0x0;
	s24 =	sadd.s32 s3, s2;
	s25 =	smax.u32 s4, $0x1  }
0x17: {  	s26 =	simm.s32 $0x1400;
	s2 =	simm.s32 $0x7;
	s0 =	simm.s32 $0x1  }
0x18: {  	s3 =	simm.s32 $0x1000;
	s4 =	simm.s32 $0x15400;
	[dreg:$0x12] =	wrdreg s5  }
0x19: {  	s6 =	simm.s32 $0x4;
	s7 =	simm.s32 $0x1A400;
	[smem:$0x7FF] =	sst s22  }
0x1a: {  	v0 =	vlaneseq.u32;
	s8 =	simm.s32 $0x5;
	s5 =	simm.s32 $0x2;
	_ =	strace $0x80000047  }
.LBB2_1:
0x1b: {  	s11 =	rddreg [dreg:$0x5]  }
0x1c: {  	[tilespmem:s26], [sflag:$0x1] =	stream.linear.gather [hbm4b:s11+s22], $0x1000, $0x38;
	[tilespmem:$0x1F400] =	vst v63  }
0x1d: {  	s18 =	rddreg [dreg:$0x6]  }
0x1e: {  	[tilespmem:s28], [sflag:$0x3] =	stream.linear.gather [hbm4b:s18+s22], $0x1000, $0x38;
	[tilespmem:$0x1F400] =	vst v63  }
0x1f: {  	s19 =	simm.s32 $0x0;
	s12 =	rddreg [dreg:$0x7]  }
0x20: {  	v1 =	vmov s19;
	[tilespmem:s30], [sflag:$0x2] =	stream.strided.gather [hbm4b:s12+s3], $0x4000, s29, s3, $0x38;
	[tilespmem:$0x1F400] =	vst v63  }
0x21: {  	v2 =	vor.u32 s19, v0;
	v1 =	vshrl.u32 v1, $0x5;
	s12 =	rddreg [dreg:$0x8]  }
0x22: {  	v2 =	vand.u32 $0x1F, v2;
	v3 =	vshll.u32 v1, $0x7;
	[tilespmem:s31], [sflag:$0x4] =	stream.strided.gather [hbm4b:s12+s3], $0x4000, s29, s3, $0x38;
	[tilespmem:$0x1F400] =	vst v63  }
0x23: {  	s13 =	rddreg [dreg:$0x2];
	v4 =	vshll.u32 v2, $0x7;
	v2 =	vor.u32 v2, v3  }
0x24: {  	v1 =	vadd.s32 v1, v4;
	[tilespmem:s22], [sflag:$0x7] =	stream.linear.gather [hbm4b:s13+s22], $0x1000, $0x38;
	[tilespmem:$0x1F400] =	vst v63  }
0x25: {  	_ =	swait.ge [sflag:s2], $0x1000  }
0x26: {  	s14 =	simm.s32 $0x10;
	[sflag:s2] =	ssyncset.done $0x0  }
0x27: {  	v4 =	vor.u32 s14, v0;
	[sflag:s2] =	ssyncadd.s32 $0xFFFFF000  }
0x28: {  	v3 =	vmov s14;
	v4 =	vand.u32 $0x1F, v4;
	v2 =	vld.idx.msk [tilespmem:v2+s22+$0x0], $0xffff  }
0x29: {  	v3 =	vshrl.u32 v3, $0x5;
	v6 =	vshll.u32 v4, $0x7;
	v1 =	vld.idx.msk [tilespmem:v1+s22+$0x0], $0xffff  }
0x2a: {  	s15 =	simm.s32 $0x20;
	v5 =	vshll.u32 v3, $0x7;
	v3 =	vadd.s32 v3, v6  }
0x2b: {  	v4 =	vor.u32 v4, v5;
	v5 =	vmov s15  }
0x2c: {  	v6 =	vor.u32 s15, v0;
	v5 =	vshrl.u32 v5, $0x5  }
0x2d: {  	v6 =	vand.u32 $0x1F, v6;
	v7 =	vshll.u32 v5, $0x7  }
0x2e: {  	v8 =	vshll.u32 v6, $0x7;
	v6 =	vor.u32 v6, v7;
	v1 =	vadd.f32 v1, v2  }
0x2f: {  	v2 =	vld.idx.msk [tilespmem:v3+s22+$0x0], $0xffff;
	v3 =	vadd.s32 v5, v8  }
0x30: {  	v4 =	vld.idx.msk [tilespmem:v4+s22+$0x0], $0xffff;
	v1 =	vmul.f32 $-5.000000000e-01, v1  }
0x31: {  	s16 =	simm.s32 $0x30  }
0x32: {  	v5 =	vmov s16;
	v1 =	vadd.f32 $0.0e+00, v1  }
0x33: {  	v7 =	vor.u32 s16, v0;
	v6 =	vld.idx.msk [tilespmem:v6+s22+$0x0], $0xffff;
	v5 =	vshrl.u32 v5, $0x5  }
0x34: {  	v7 =	vand.u32 $0x1F, v7;
	v8 =	vshll.u32 v5, $0x7;
	v3 =	vld.idx.msk [tilespmem:v3+s22+$0x0], $0xffff;
	v1 =	vmul.f32 $1.442695020e+00, v1  }
0x35: {  	s17 =	simm.s32 $0x40;
	v2 =	vadd.f32 v2, v4;
	v4 =	vshll.u32 v7, $0x7;
	v7 =	vor.u32 v7, v8  }
0x36: {  	v4 =	vadd.s32 v5, v4;
	v5 =	vor.u32 s17, v0;
	(erf) = vpow2.f32 v1  }
0x37: {  	v2 =	vmul.f32 $-5.000000000e-01, v2;
	v5 =	vand.u32 $0x1F, v5  }
0x38: {  	v1 =	vmov s17;
	v8 =	vshll.u32 v5, $0x7  }
0x39: {  	v2 =	vadd.f32 $0.0e+00, v2;
	v1 =	vshrl.u32 v1, $0x5;
	v3 =	vadd.f32 v3, v6  }
0x3a: {  	v6 =	vshll.u32 v1, $0x7;
	v7 =	vld.idx.msk [tilespmem:v7+s22+$0x0], $0xffff;
	v1 =	vadd.s32 v1, v8  }
0x3b: {  	s18 =	simm.s32 $0x50;
	v2 =	vmul.f32 $1.442695020e+00, v2;
	v5 =	vor.u32 v5, v6;
	v4 =	vld.idx.msk [tilespmem:v4+s22+$0x0], $0xffff;
	v3 =	vmul.f32 $-5.000000000e-01, v3  }
0x3c: {  	v6 =	vor.u32 s18, v0  }
0x3d: {  	(erf) = vpow2.f32 v2;
	v2 =	vmov s18;
	v3 =	vadd.f32 $0.0e+00, v3  }
0x3e: {  	v6 =	vand.u32 $0x1F, v6;
	v2 =	vshrl.u32 v2, $0x5  }
0x3f: {  	v9 =	vshll.u32 v6, $0x7;
	v8 =	vshll.u32 v2, $0x7;
	v1 =	vld.idx.msk [tilespmem:v1+s22+$0x0], $0xffff;
	v3 =	vmul.f32 $1.442695020e+00, v3;
	v10 =	vpop (erf)  }
0x40: {  	v2 =	vadd.s32 v2, v9;
	v5 =	vld.idx.msk [tilespmem:v5+s22+$0x0], $0xffff;
	v4 =	vadd.f32 v4, v7;
	v7 =	vadd.f32 $1.000000000e+00, v10  }
0x41: {  	v6 =	vor.u32 v6, v8;
	(erf) = vpow2.f32 v3  }
0x42: {  	s19 =	simm.s32 $0x60;
	v3 =	vmul.f32 $-5.000000000e-01, v4;
	(erf) = vrcp.f32 v7  }
0x43: {  	v4 =	vmov s19  }
0x44: {  	v4 =	vshrl.u32 v4, $0x5;
	v7 =	vor.u32 s19, v0;
	v3 =	vadd.f32 $0.0e+00, v3  }
0x45: {  	v8 =	vshll.u32 v4, $0x7;
	v2 =	vld.idx.msk [tilespmem:v2+s22+$0x0], $0xffff;
	v7 =	vand.u32 $0x1F, v7;
	v1 =	vadd.f32 v1, v5  }
0x46: {  	v6 =	vld.idx.msk [tilespmem:v6+s22+$0x0], $0xffff;
	v59 =	vshll.u32 v7, $0x7;
	v60 =	vpop (erf);
	v7 =	vor.u32 v7, v8;
	v3 =	vmul.f32 $1.442695020e+00, v3  }
0x47: {  	s12 =	simm.s32 $0x70;
	v4 =	vadd.s32 v4, v59;
	v5 =	vadd.f32 $1.000000000e+00, v60  }
0x48: {  	v1 =	vmul.f32 $-5.000000000e-01, v1;
	(erf) = vpow2.f32 v3;
	v3 =	vmov s12  }
0x49: {  	v8 =	vor.u32 s12, v0;
	(erf) = vrcp.f32 v5;
	v5 =	vshrl.u32 v3, $0x5  }
0x4a: {  	v3 =	vand.u32 $0x1F, v8;
	v8 =	vadd.f32 $0.0e+00, v1;
	v61 =	vshll.u32 v5, $0x7;
	v62 =	vpop (erf)  }
0x4b: {  	v11 =	vshll.u32 v3, $0x7;
	v6 =	vadd.f32 v2, v6;
	v1 =	vld.idx.msk [tilespmem:v7+s22+$0x0], $0xffff;
	v3 =	vor.u32 v3, v61;
	v63 =	vpop (erf)  }
0x4c: {  	s11 =	simm.s32 $0x1000;
	v7 =	vmul.f32 $1.442695020e+00, v8;
	v2 =	vld.idx.msk [tilespmem:v4+s22+$0x0], $0xffff;
	v4 =	vadd.s32 v5, v11;
	v5 =	vadd.f32 $1.000000000e+00, v62;
	[tilespmem:s3+$0x0] =	vst v63  }
.LBB2_2:
0x4d: {  	s12 =	sadd.s32 $0x10, s12  }
0x4e: {  	v6 =	vmul.f32 $-5.000000000e-01, v6;
	(erf) = vpow2.f32 v7;
	p0 =	slt.u32 s12, $0x3F0  }
.Ltmp0:
0x4f: {  	v7 =	vmov s12;
	v8 =	vor.u32 s12, v0;
	(erf) = vrcp.f32 v5;
	(pc) =	sbr.rel @p0 .LBB2_2-.Ltmp0, $4  }
0x50: {  	v5 =	vshrl.u32 v7, $0x5;
	v7 =	vand.u32 $0x1F, v8;
	v12 =	vadd.f32 $0.0e+00, v6  }
0x51: {  	v11 =	vmov v1;
	v6 =	vshll.u32 v5, $0x7;
	v9 =	vshll.u32 v7, $0x7;
	v10 =	vpop (erf);
	v1 =	vld.idx.msk [tilespmem:v3+s22+$0x0], $0xffff  }
0x52: {  	s11 =	sadd.s32 $0x10, s11;
	v3 =	vor.u32 v7, v6;
	v6 =	vadd.f32 v2, v11;
	v2 =	vld.idx.msk [tilespmem:v4+s22+$0x0], $0xffff;
	v7 =	vmul.f32 $1.442695020e+00, v12;
	v8 =	vpop (erf)  }
0x53: {  	v4 =	vadd.s32 v5, v9;
	v5 =	vadd.f32 $1.000000000e+00, v10;
	[tilespmem:s11+$0x0] =	vst v8  }
0x54: {  	_ =	sdelay $0x3  }
0x55: {  	v3 =	vld.idx.msk [tilespmem:v3+s22+$0x0], $0xffff  }
0x56: {  	(erf) = vpow2.f32 v7;
	v4 =	vld.idx.msk [tilespmem:v4+s22+$0x0], $0xffff  }
0x57: {  	v6 =	vmul.f32 $-5.000000000e-01, v6;
	_ =	sdelay $0x1  }
0x58: {  	v1 =	vadd.f32 v2, v1;
	v2 =	vadd.f32 $0.0e+00, v6;
	_ =	sdelay $0x1  }
0x59: {  	v1 =	vmul.f32 $-5.000000000e-01, v1;
	v3 =	vadd.f32 v4, v3;
	v2 =	vmul.f32 $1.442695020e+00, v2;
	_ =	sdelay $0x1  }
0x5a: {  	v4 =	vpop (erf);
	v1 =	vadd.f32 $0.0e+00, v1;
	v3 =	vmul.f32 $-5.000000000e-01, v3  }
0x5b: {  	(erf) = vrcp.f32 v5;
	v5 =	vpop (erf);
	v4 =	vadd.f32 $1.000000000e+00, v4  }
0x5c: {  	(erf) = vpow2.f32 v2;
	v2 =	vpop (erf);
	v1 =	vmul.f32 $1.442695020e+00, v1;
	v3 =	vadd.f32 $0.0e+00, v3  }
0x5d: {  	(erf) = vrcp.f32 v4;
	v2 =	vadd.f32 $1.000000000e+00, v2  }
0x5e: {  	(erf) = vpow2.f32 v1;
	v1 =	vmul.f32 $1.442695020e+00, v3  }
0x5f: {  	(erf) = vrcp.f32 v2  }
0x60: {  	(erf) = vpow2.f32 v1;
	_ =	sdelay $0x3  }
0x61: {  	v1 =	vpop (erf)  }
0x62: {  	v2 =	vpop (erf)  }
0x63: {  	v3 =	vpop (erf)  }
0x64: {  	v4 =	vpop (erf)  }
0x65: {  	v2 =	vadd.f32 $1.000000000e+00, v2;
	v6 =	vpop (erf)  }
0x66: {  	v4 =	vadd.f32 $1.000000000e+00, v4;
	v7 =	vpop (erf)  }
0x67: {  	(erf) = vrcp.f32 v2;
	v2 =	vadd.f32 $1.000000000e+00, v7  }
0x68: {  	(erf) = vrcp.f32 v4  }
0x69: {  	(erf) = vrcp.f32 v2;
	_ =	sdelay $0x2  }
0x6a: {  	s11 =	sadd.s32 $0x10, s11  }
0x6b: {  	[tilespmem:s11+$0x0] =	vst v5;
	s11 =	sadd.s32 $0x10, s11  }
0x6c: {  	[tilespmem:s11+$0x0] =	vst v1;
	s11 =	sadd.s32 $0x10, s11  }
0x6d: {  	[tilespmem:s11+$0x0] =	vst v3;
	s11 =	sadd.s32 $0x10, s11  }
0x6e: {  	[tilespmem:s11+$0x0] =	vst v6;
	s11 =	sadd.s32 $0x10, s11;
	v1 =	vpop (erf)  }
0x6f: {  	[tilespmem:s11+$0x0] =	vst v1;
	s11 =	sadd.s32 $0x10, s11;
	v1 =	vpop (erf)  }
0x70: {  	[tilespmem:s11+$0x0] =	vst v1;
	s11 =	sadd.s32 $0x10, s11;
	v1 =	vpop (erf)  }
0x71: {  	[tilespmem:s11+$0x0] =	vst v1  }
0x72: {  	_ =	swait.ge [sflag:s0], $0x1000  }
0x73: {  	[sflag:s0] =	ssyncset.done $0x0  }
0x74: {  	s17 =	simm.s32 $0x0;
	[sflag:s0] =	ssyncadd.s32 $0xFFFFF000  }
0x75: {  	s12 =	sand.u32 $0xC00, s17;
	s13 =	sand.u32 $0x380, s17;
	_ =	swait.ge [sflag:s1], $0x1000  }
0x76: {  	s12 =	sor.u32 s13, s12;
	s11 =	sand.u32 $0x40, s17;
	[sflag:s1] =	ssyncset.done $0x0  }
0x77: {  	s11 =	sor.u32 s11, s12;
	[sflag:s1] =	ssyncadd.s32 $0xFFFFF000  }
0x78: {  	v1 =	vld [tilespmem:s11+$0x1430]  }
0x79: {  	v2 =	vld [tilespmem:s11+$0xB430]  }
0x7a: {  	v3 =	vld [tilespmem:s11+$0x1400]  }
0x7b: {  	s18 =	simm.s32 $0x200;
	s19 =	simm.s32 $0x10;
	v5 =	vld [tilespmem:s11+$0x1410]  }
0x7c: {  	s14 =	simm.s32 $0x40;
	s13 =	sand.u32 $0x380, s19;
	s12 =	sand.u32 $0xC00, s18;
	v4 =	vld [tilespmem:s11+$0xB400]  }
0x7d: {  	s14 =	sand.u32 $0x40, s14;
	s12 =	sor.u32 s13, s12;
	v6 =	vld [tilespmem:s11+$0xB410];
	v1 =	vshll.u32 v1, $0x5  }
0x7e: {  	s12 =	sor.u32 s14, s12;
	v7 =	vld [tilespmem:s11+$0xB420];
	v1 =	vadd.s32 v2, v1  }
0x7f: {  	v9 =	vld [tilespmem:s12+$0x1430]  }
0x80: {  	v2 =	vld [tilespmem:s11+$0x1420]  }
0x81: {  	v10 =	vld [tilespmem:s12+$0xB430]  }
0x82: {  	v11 =	vld [tilespmem:s12+$0x1400]  }
0x83: {  	v8 =	vld.idx.msk [tilespmem:v1+s3+$0x0], $0xffff;
	v1 =	vshll.u32 v3, $0x5  }
0x84: {  	v13 =	vld [tilespmem:s12+$0x1410];
	v12 =	vadd.s32 v4, v1;
	v1 =	vshll.u32 v5, $0x5  }
0x85: {  	v3 =	vld [tilespmem:s12+$0x1420];
	v14 =	vshll.u32 v2, $0x5;
	v2 =	vadd.s32 v6, v1  }
0x86: {  	v4 =	vld [tilespmem:s12+$0xB400];
	v1 =	vadd.s32 v7, v14;
	v6 =	vshll.u32 v9, $0x5  }
0x87: {  	v5 =	vld [tilespmem:s12+$0xB410];
	v6 =	vadd.s32 v10, v6  }
0x88: {  	s15 =	simm.s32 $0x400;
	v7 =	vld [tilespmem:s12+$0xB420]  }
0x89: {  	s16 =	simm.s32 $0x20;
	s13 =	simm.s32 $0x4;
	s14 =	simm.s32 $0x80;
	v9 =	vshll.u32 v13, $0x5;
	v10 =	vshll.u32 v11, $0x5;
	[tilespmem:s11+$0x15430] =	vst v8;
	v8 =	vld.idx.msk [tilespmem:v12+s3+$0x0], $0xffff  }
.LBB2_4:
0x8a: {  	s17 =	sand.u32 $0xC00, s15;
	s18 =	sand.u32 $0x380, s16;
	s13 =	sadd.s32 $0x4, s13;
	v3 =	vshll.u32 v3, $0x5;
	v11 =	vld.idx.msk [tilespmem:v2+s3+$0x0], $0xffff  }
0x8b: {  	s19 =	sand.u32 $0x40, s14;
	s17 =	sor.u32 s18, s17;
	p0 =	slt.u32 s13, $0xFC;
	v12 =	vadd.s32 v4, v10;
	v4 =	vld.idx.msk [tilespmem:v1+s3+$0x0], $0xffff  }
0x8c: {  	s17 =	sor.u32 s19, s17;
	v2 =	vadd.s32 v5, v9;
	v5 =	vld.idx.msk [tilespmem:v6+s3+$0x0], $0xffff  }
0x8d: {  	v6 =	vld [tilespmem:s17+$0x1430];
	v1 =	vadd.s32 v7, v3  }
0x8e: {  	v7 =	vld [tilespmem:s17+$0xB430]  }
0x8f: {  	v9 =	vld [tilespmem:s17+$0x1400];
	[tilespmem:s11+$0x15400] =	vst v8  }
0x90: {  	v8 =	vld [tilespmem:s17+$0x1410];
	[tilespmem:s11+$0x15410] =	vst v11  }
.Ltmp1:
0x91: {  	v3 =	vld [tilespmem:s17+$0x1420];
	[tilespmem:s11+$0x15420] =	vst v4;
	s11 =	smov.u32 s12;
	s12 =	smov.u32 s17;
	(pc) =	sbr.rel @p0 .LBB2_4-.Ltmp1, $4  }
0x92: {  	v4 =	vld [tilespmem:s12+$0xB400];
	v6 =	vshll.u32 v6, $0x5;
	[tilespmem:s11+$0x15430] =	vst v5  }
0x93: {  	v5 =	vld [tilespmem:s12+$0xB410];
	v6 =	vadd.s32 v7, v6  }
0x94: {  	v10 =	vshll.u32 v9, $0x5;
	v7 =	vld [tilespmem:s12+$0xB420]  }
0x95: {  	s14 =	sadd.s32 $0x40, s14;
	s15 =	sadd.s32 $0x200, s15;
	s16 =	sadd.s32 $0x10, s16;
	v9 =	vshll.u32 v8, $0x5;
	v8 =	vld.idx.msk [tilespmem:v12+s3+$0x0], $0xffff  }
0x96: {  	_ =	sdelay $0x1  }
0x97: {  	v4 =	vadd.s32 v4, v10  }
0x98: {  	v3 =	vshll.u32 v3, $0x5;
	v5 =	vadd.s32 v5, v9  }
0x99: {  	v2 =	vld.idx.msk [tilespmem:v2+s3+$0x0], $0xffff;
	v3 =	vadd.s32 v7, v3  }
0x9a: {  	v1 =	vld.idx.msk [tilespmem:v1+s3+$0x0], $0xffff  }
0x9b: {  	v6 =	vld.idx.msk [tilespmem:v6+s3+$0x0], $0xffff  }
0x9c: {  	v4 =	vld.idx.msk [tilespmem:v4+s3+$0x0], $0xffff  }
0x9d: {  	[tilespmem:s11+$0x15400] =	vst v8;
	v5 =	vld.idx.msk [tilespmem:v5+s3+$0x0], $0xffff  }
0x9e: {  	[tilespmem:s11+$0x15410] =	vst v2;
	v2 =	vld.idx.msk [tilespmem:v3+s3+$0x0], $0xffff  }
0x9f: {  	[tilespmem:s11+$0x15420] =	vst v1  }
0xa0: {  	[tilespmem:s12+$0x15430] =	vst v6  }
0xa1: {  	[tilespmem:s12+$0x15400] =	vst v4  }
0xa2: {  	[tilespmem:s12+$0x15410] =	vst v5  }
0xa3: {  	[tilespmem:s12+$0x15420] =	vst v2  }
0xa4: {  	s19 =	simm.s32 $0x0;
	s12 =	rddreg [dreg:$0x9]  }
0xa5: {  	[hbm4b:s12+s19] =	stream.linear.scatter [tilespmem:s4], [sflag:$0x5], $0x1000, $0x38;
	[tilespmem:$0x1F400] =	vst v63  }
0xa6: {  	s14 =	rddreg [dreg:$0xa]  }
0xa7: {  	[tilespmem:s26], [sflag:$0x1] =	stream.strided.gather [hbm4b:s14+s3], $0x5000, s29, s3, $0x38;
	[tilespmem:$0x1F400] =	vst v63  }
0xa8: {  	s15 =	rddreg [dreg:$0xb]  }
0xa9: {  	[tilespmem:s28], [sflag:$0x3] =	stream.strided.gather [hbm4b:s15+s3], $0x5000, s29, s3, $0x38;
	[tilespmem:$0x1F400] =	vst v63  }
0xaa: {  	_ =	swait.ge [sflag:s5], $0x4000  }
0xab: {  	s16 =	simm.s32 $0x0;
	s13 =	sand.u32 $0xC00, s19;
	[sflag:s5] =	ssyncset.done $0x0  }
0xac: {  	s12 =	sand.u32 $0x3000, s16;
	s14 =	simm.s32 $0x0;
	[sflag:s5] =	ssyncadd.s32 $0xFFFFC000  }
0xad: {  	s12 =	sor.u32 s13, s12;
	s17 =	sand.u32 $0x380, s14;
	_ =	swait.ge [sflag:s6], $0x4000  }
0xae: {  	s11 =	sand.u32 $0x40, s19;
	s12 =	sor.u32 s17, s12;
	[sflag:s6] =	ssyncset.done $0x0  }
0xaf: {  	s11 =	sor.u32 s11, s12;
	[sflag:s6] =	ssyncadd.s32 $0xFFFFC000  }
0xb0: {  	v1 =	vld [tilespmem:s11+$0x6430]  }
0xb1: {  	v2 =	vld [tilespmem:s11+$0x10430];
	_ =	sdelay $0x2  }
0xb2: {  	s18 =	simm.s32 $0x40;
	s13 =	simm.s32 $0x200;
	v3 =	vld [tilespmem:s11+$0x6400]  }
0xb3: {  	s19 =	sand.u32 $0xC00, s13;
	s15 =	simm.s32 $0x10;
	s12 =	sand.u32 $0x3000, s18;
	v4 =	vld [tilespmem:s11+$0x6410];
	v1 =	vshll.u32 v1, $0x5  }
0xb4: {  	s14 =	simm.s32 $0x40;
	s15 =	sand.u32 $0x380, s15;
	s12 =	sor.u32 s19, s12;
	v7 =	vld [tilespmem:s11+$0x10400];
	v1 =	vadd.s32 v2, v1  }
0xb5: {  	s16 =	sand.u32 $0x40, s14;
	s12 =	sor.u32 s15, s12;
	v9 =	vld [tilespmem:s11+$0x10410]  }
0xb6: {  	s12 =	sor.u32 s16, s12;
	v10 =	vld [tilespmem:s11+$0x10420]  }
0xb7: {  	v12 =	vld [tilespmem:s12+$0x6430]  }
0xb8: {  	v2 =	vld [tilespmem:s11+$0x6420]  }
0xb9: {  	v11 =	vld.idx.msk [tilespmem:v1+s3+$0x0], $0xffff  }
0xba: {  	v8 =	vld [tilespmem:s12+$0x10430]  }
0xbb: {  	v6 =	vld [tilespmem:s12+$0x6400];
	v1 =	vshll.u32 v3, $0x5  }
0xbc: {  	v5 =	vld [tilespmem:s12+$0x6410];
	v13 =	vshll.u32 v4, $0x5;
	v3 =	vadd.s32 v7, v1  }
0xbd: {  	v4 =	vld [tilespmem:s12+$0x6420];
	v14 =	vshll.u32 v2, $0x5;
	v2 =	vadd.s32 v9, v13  }
0xbe: {  	s15 =	simm.s32 $0x4;
	v9 =	vshll.u32 v12, $0x5;
	v1 =	vadd.s32 v10, v14;
	v7 =	vld [tilespmem:s12+$0x10400];
	[tilespmem:s11+$0x1A430] =	vst v11  }
.LBB2_6:
0xbf: {  	s15 =	sadd.s32 $0x4, s15;
	v10 =	vld [tilespmem:s12+$0x10410];
	v8 =	vadd.s32 v8, v9  }
0xc0: {  	s13 =	sadd.s32 $0x200, s13;
	s16 =	sshll.u32 s15, $0x4;
	p0 =	slt.u32 s15, $0x3FC;
	v6 =	vshll.u32 v6, $0x5;
	v9 =	vld [tilespmem:s12+$0x10420]  }
0xc1: {  	s17 =	sand.u32 $0xC00, s13;
	s18 =	sshll.u32 s15, $0x2;
	s16 =	sand.u32 $0x3000, s16;
	v5 =	vshll.u32 v5, $0x5;
	v11 =	vld.idx.msk [tilespmem:v3+s3+$0x0], $0xffff  }
0xc2: {  	s14 =	sadd.s32 $0x40, s14;
	s16 =	sor.u32 s17, s16;
	s17 =	sand.u32 $0x380, s18;
	v4 =	vshll.u32 v4, $0x5;
	v12 =	vld.idx.msk [tilespmem:v2+s3+$0x0], $0xffff  }
0xc3: {  	s18 =	sand.u32 $0x40, s14;
	s16 =	sor.u32 s17, s16;
	v3 =	vadd.s32 v7, v6;
	v7 =	vld.idx.msk [tilespmem:v1+s3+$0x0], $0xffff  }
0xc4: {  	s16 =	sor.u32 s18, s16;
	v2 =	vadd.s32 v10, v5;
	v10 =	vld.idx.msk [tilespmem:v8+s3+$0x0], $0xffff  }
0xc5: {  	v13 =	vld [tilespmem:s16+$0x6430];
	v1 =	vadd.s32 v9, v4  }
.Ltmp2:
0xc6: {  	v8 =	vld [tilespmem:s16+$0x10430];
	(pc) =	sbr.rel @p0 .LBB2_6-.Ltmp2, $4  }
0xc7: {  	v6 =	vld [tilespmem:s16+$0x6400];
	[tilespmem:s11+$0x1A400] =	vst v11  }
0xc8: {  	v5 =	vld [tilespmem:s16+$0x6410];
	[tilespmem:s11+$0x1A410] =	vst v12  }
0xc9: {  	v4 =	vld [tilespmem:s16+$0x6420];
	[tilespmem:s11+$0x1A420] =	vst v7;
	s11 =	smov.u32 s12;
	s12 =	smov.u32 s16  }
0xca: {  	v7 =	vld [tilespmem:s12+$0x10400];
	v9 =	vshll.u32 v13, $0x5;
	[tilespmem:s11+$0x1A430] =	vst v10  }
0xcb: {  	v10 =	vld [tilespmem:s12+$0x10410]  }
0xcc: {  	v11 =	vld [tilespmem:s12+$0x10420];
	_ =	sdelay $0x1  }
0xcd: {  	v8 =	vadd.s32 v8, v9;
	v6 =	vshll.u32 v6, $0x5  }
0xce: {  	v5 =	vshll.u32 v5, $0x5;
	v6 =	vadd.s32 v7, v6  }
0xcf: {  	v3 =	vld.idx.msk [tilespmem:v3+s3+$0x0], $0xffff;
	v4 =	vshll.u32 v4, $0x5;
	v5 =	vadd.s32 v10, v5  }
0xd0: {  	v2 =	vld.idx.msk [tilespmem:v2+s3+$0x0], $0xffff;
	v4 =	vadd.s32 v11, v4  }
0xd1: {  	v1 =	vld.idx.msk [tilespmem:v1+s3+$0x0], $0xffff  }
0xd2: {  	v7 =	vld.idx.msk [tilespmem:v8+s3+$0x0], $0xffff  }
0xd3: {  	v6 =	vld.idx.msk [tilespmem:v6+s3+$0x0], $0xffff  }
0xd4: {  	[tilespmem:s11+$0x1A400] =	vst v3;
	v3 =	vld.idx.msk [tilespmem:v5+s3+$0x0], $0xffff  }
0xd5: {  	[tilespmem:s11+$0x1A410] =	vst v2;
	v2 =	vld.idx.msk [tilespmem:v4+s3+$0x0], $0xffff  }
0xd6: {  	[tilespmem:s11+$0x1A420] =	vst v1  }
0xd7: {  	[tilespmem:s12+$0x1A430] =	vst v7  }
0xd8: {  	[tilespmem:s12+$0x1A400] =	vst v6  }
0xd9: {  	[tilespmem:s12+$0x1A410] =	vst v3  }
0xda: {  	[tilespmem:s12+$0x1A420] =	vst v2  }
0xdb: {  	s11 =	rddreg [dreg:$0xc]  }
0xdc: {  	[hbm4b:s11+s3] =	stream.strided.scatter [tilespmem:s7], [sflag:$0x6], $0x4000, s29, s3, $0x38;
	[tilespmem:$0x1F400] =	vst v63  }
0xdd: {  	s13 =	rddreg [dreg:$0xd]  }
0xde: {  	[tilespmem:s30], [sflag:$0x2] =	stream.strided.gather [hbm4b:s13+s3], $0x5000, s29, s3, $0x38;
	[tilespmem:$0x1F400] =	vst v63  }
0xdf: {  	s14 =	rddreg [dreg:$0xe]  }
0xe0: {  	[tilespmem:s31], [sflag:$0x4] =	stream.strided.gather [hbm4b:s14+s3], $0x5000, s29, s3, $0x38;
	[tilespmem:$0x1F400] =	vst v63  }
0xe1: {  	_ =	swait.ge [sflag:s0], $0x5000  }
0xe2: {  	[sflag:s0] =	ssyncset.done $0x0  }
0xe3: {  	[sflag:s0] =	ssyncadd.s32 $0xFFFFB000  }
0xe4: {  	s16 =	simm.s32 $0x0;
	_ =	swait.ge [sflag:s1], $0x5000  }
0xe5: {  	s15 =	simm.s32 $0x0;
	s12 =	sand.u32 $0x7000, s16;
	[sflag:s1] =	ssyncset.done $0x0  }
0xe6: {  	s13 =	sand.u32 $0xC00, s15;
	s14 =	simm.s32 $0x0;
	[sflag:s1] =	ssyncadd.s32 $0xFFFFB000  }
0xe7: {  	s12 =	sor.u32 s13, s12;
	s17 =	sand.u32 $0x380, s14;
	_ =	swait.ge [sflag:s8], $0x1000  }
0xe8: {  	s11 =	sand.u32 $0x40, s15;
	s12 =	sor.u32 s17, s12;
	[sflag:s8] =	ssyncset.done $0x0  }
0xe9: {  	s11 =	sor.u32 s11, s12;
	[sflag:s8] =	ssyncadd.s32 $0xFFFFF000  }
0xea: {  	v1 =	vld [tilespmem:s11+$0x1430]  }
0xeb: {  	v2 =	vld [tilespmem:s11+$0xB430];
	_ =	sdelay $0x2  }
0xec: {  	s18 =	simm.s32 $0x40;
	s13 =	simm.s32 $0x200;
	v3 =	vld [tilespmem:s11+$0x1400]  }
0xed: {  	s15 =	simm.s32 $0x10;
	s19 =	sand.u32 $0xC00, s13;
	s12 =	sand.u32 $0x7000, s18;
	v4 =	vld [tilespmem:s11+$0x1410];
	v1 =	vshll.u32 v1, $0x5  }
0xee: {  	s15 =	sand.u32 $0x380, s15;
	s14 =	simm.s32 $0x40;
	s12 =	sor.u32 s19, s12;
	v7 =	vld [tilespmem:s11+$0xB400];
	v1 =	vadd.s32 v2, v1  }
0xef: {  	s16 =	sand.u32 $0x40, s14;
	s12 =	sor.u32 s15, s12;
	v9 =	vld [tilespmem:s11+$0xB410]  }
0xf0: {  	s12 =	sor.u32 s16, s12;
	v10 =	vld [tilespmem:s11+$0xB420]  }
0xf1: {  	v12 =	vld [tilespmem:s12+$0x1430]  }
0xf2: {  	v2 =	vld [tilespmem:s11+$0x1420]  }
0xf3: {  	v11 =	vld.idx.msk [tilespmem:v1+s3+$0x0], $0xffff  }
0xf4: {  	v8 =	vld [tilespmem:s12+$0xB430]  }
0xf5: {  	v6 =	vld [tilespmem:s12+$0x1400];
	v1 =	vshll.u32 v3, $0x5  }
0xf6: {  	v5 =	vld [tilespmem:s12+$0x1410];
	v13 =	vshll.u32 v4, $0x5;
	v3 =	vadd.s32 v7, v1  }
0xf7: {  	v4 =	vld [tilespmem:s12+$0x1420];
	v14 =	vshll.u32 v2, $0x5;
	v2 =	vadd.s32 v9, v13  }
0xf8: {  	s15 =	simm.s32 $0x4;
	v9 =	vshll.u32 v12, $0x5;
	v1 =	vadd.s32 v10, v14;
	v7 =	vld [tilespmem:s12+$0xB400];
	[tilespmem:s11+$0x15430] =	vst v11  }
.LBB2_8:
0xf9: {  	s15 =	sadd.s32 $0x4, s15;
	v10 =	vld [tilespmem:s12+$0xB410];
	v8 =	vadd.s32 v8, v9  }
0xfa: {  	s13 =	sadd.s32 $0x200, s13;
	s16 =	sshll.u32 s15, $0x4;
	p0 =	slt.u32 s15, $0x4FC;
	v6 =	vshll.u32 v6, $0x5;
	v9 =	vld [tilespmem:s12+$0xB420]  }
0xfb: {  	s17 =	sand.u32 $0xC00, s13;
	s18 =	sshll.u32 s15, $0x2;
	s16 =	sand.u32 $0x7000, s16;
	v5 =	vshll.u32 v5, $0x5;
	v11 =	vld.idx.msk [tilespmem:v3+s3+$0x0], $0xffff  }
0xfc: {  	s14 =	sadd.s32 $0x40, s14;
	s16 =	sor.u32 s17, s16;
	s17 =	sand.u32 $0x380, s18;
	v4 =	vshll.u32 v4, $0x5;
	v12 =	vld.idx.msk [tilespmem:v2+s3+$0x0], $0xffff  }
0xfd: {  	s18 =	sand.u32 $0x40, s14;
	s16 =	sor.u32 s17, s16;
	v3 =	vadd.s32 v7, v6;
	v7 =	vld.idx.msk [tilespmem:v1+s3+$0x0], $0xffff  }
0xfe: {  	s16 =	sor.u32 s18, s16;
	v2 =	vadd.s32 v10, v5;
	v10 =	vld.idx.msk [tilespmem:v8+s3+$0x0], $0xffff  }
0xff: {  	v13 =	vld [tilespmem:s16+$0x1430];
	v1 =	vadd.s32 v9, v4  }
.Ltmp3:
0x100: {  	v8 =	vld [tilespmem:s16+$0xB430];
	(pc) =	sbr.rel @p0 .LBB2_8-.Ltmp3, $4  }
0x101: {  	v6 =	vld [tilespmem:s16+$0x1400];
	[tilespmem:s11+$0x15400] =	vst v11  }
0x102: {  	v5 =	vld [tilespmem:s16+$0x1410];
	[tilespmem:s11+$0x15410] =	vst v12  }
0x103: {  	v4 =	vld [tilespmem:s16+$0x1420];
	[tilespmem:s11+$0x15420] =	vst v7;
	s11 =	smov.u32 s12;
	s12 =	smov.u32 s16  }
0x104: {  	v7 =	vld [tilespmem:s12+$0xB400];
	v9 =	vshll.u32 v13, $0x5;
	[tilespmem:s11+$0x15430] =	vst v10  }
0x105: {  	v10 =	vld [tilespmem:s12+$0xB410]  }
0x106: {  	v11 =	vld [tilespmem:s12+$0xB420];
	_ =	sdelay $0x1  }
0x107: {  	v8 =	vadd.s32 v8, v9;
	v6 =	vshll.u32 v6, $0x5  }
0x108: {  	v5 =	vshll.u32 v5, $0x5;
	v6 =	vadd.s32 v7, v6  }
0x109: {  	v3 =	vld.idx.msk [tilespmem:v3+s3+$0x0], $0xffff;
	v4 =	vshll.u32 v4, $0x5;
	v5 =	vadd.s32 v10, v5  }
0x10a: {  	v2 =	vld.idx.msk [tilespmem:v2+s3+$0x0], $0xffff;
	v4 =	vadd.s32 v11, v4  }
0x10b: {  	v1 =	vld.idx.msk [tilespmem:v1+s3+$0x0], $0xffff  }
0x10c: {  	v7 =	vld.idx.msk [tilespmem:v8+s3+$0x0], $0xffff  }
0x10d: {  	v6 =	vld.idx.msk [tilespmem:v6+s3+$0x0], $0xffff  }
0x10e: {  	[tilespmem:s11+$0x15400] =	vst v3;
	v3 =	vld.idx.msk [tilespmem:v5+s3+$0x0], $0xffff  }
0x10f: {  	[tilespmem:s11+$0x15410] =	vst v2;
	v2 =	vld.idx.msk [tilespmem:v4+s3+$0x0], $0xffff  }
0x110: {  	[tilespmem:s11+$0x15420] =	vst v1  }
0x111: {  	[tilespmem:s12+$0x15430] =	vst v7  }
0x112: {  	[tilespmem:s12+$0x15400] =	vst v6  }
0x113: {  	[tilespmem:s12+$0x15410] =	vst v3  }
0x114: {  	[tilespmem:s12+$0x15420] =	vst v2  }
0x115: {  	s11 =	rddreg [dreg:$0xf]  }
0x116: {  	[hbm4b:s11+s3] =	stream.strided.scatter [tilespmem:s4], [sflag:$0x5], $0x5000, s29, s3, $0x38;
	[tilespmem:$0x1F400] =	vst v63  }
0x117: {  	s13 =	rddreg [dreg:$0x10]  }
0x118: {  	[tilespmem:s26], [sflag:$0x1] =	stream.strided.gather [hbm4b:s13+s3], $0x5000, s29, s3, $0x38;
	[tilespmem:$0x1F400] =	vst v63  }
0x119: {  	s14 =	rddreg [dreg:$0x11]  }
0x11a: {  	[tilespmem:s28], [sflag:$0x3] =	stream.strided.gather [hbm4b:s14+s3], $0x5000, s29, s3, $0x38;
	[tilespmem:$0x1F400] =	vst v63  }
0x11b: {  	_ =	swait.ge [sflag:s5], $0x5000  }
0x11c: {  	[sflag:s5] =	ssyncset.done $0x0  }
0x11d: {  	[sflag:s5] =	ssyncadd.s32 $0xFFFFB000  }
0x11e: {  	s16 =	simm.s32 $0x0;
	_ =	swait.ge [sflag:s6], $0x5000  }
0x11f: {  	s15 =	simm.s32 $0x0;
	s12 =	sand.u32 $0x7000, s16;
	[sflag:s6] =	ssyncset.done $0x0  }
0x120: {  	s13 =	sand.u32 $0xC00, s15;
	s14 =	simm.s32 $0x0;
	[sflag:s6] =	ssyncadd.s32 $0xFFFFB000  }
0x121: {  	s12 =	sor.u32 s13, s12;
	s17 =	sand.u32 $0x380, s14;
	_ =	swait.ge [sflag:s9], $0x4000  }
0x122: {  	s11 =	sand.u32 $0x40, s15;
	s12 =	sor.u32 s17, s12;
	[sflag:s9] =	ssyncset.done $0x0  }
0x123: {  	s11 =	sor.u32 s11, s12;
	[sflag:s9] =	ssyncadd.s32 $0xFFFFC000  }
0x124: {  	v1 =	vld [tilespmem:s11+$0x6430]  }
0x125: {  	v2 =	vld [tilespmem:s11+$0x10430];
	_ =	sdelay $0x2  }
0x126: {  	s18 =	simm.s32 $0x40;
	s13 =	simm.s32 $0x200;
	v3 =	vld [tilespmem:s11+$0x6400]  }
0x127: {  	s15 =	simm.s32 $0x10;
	s19 =	sand.u32 $0xC00, s13;
	s12 =	sand.u32 $0x7000, s18;
	v4 =	vld [tilespmem:s11+$0x6410];
	v1 =	vshll.u32 v1, $0x5  }
0x128: {  	s15 =	sand.u32 $0x380, s15;
	s14 =	simm.s32 $0x40;
	s12 =	sor.u32 s19, s12;
	v7 =	vld [tilespmem:s11+$0x10400];
	v1 =	vadd.s32 v2, v1  }
0x129: {  	s16 =	sand.u32 $0x40, s14;
	s12 =	sor.u32 s15, s12;
	v9 =	vld [tilespmem:s11+$0x10410]  }
0x12a: {  	s12 =	sor.u32 s16, s12;
	v10 =	vld [tilespmem:s11+$0x10420]  }
0x12b: {  	v12 =	vld [tilespmem:s12+$0x6430]  }
0x12c: {  	v2 =	vld [tilespmem:s11+$0x6420]  }
0x12d: {  	v11 =	vld.idx.msk [tilespmem:v1+s3+$0x0], $0xffff  }
0x12e: {  	v8 =	vld [tilespmem:s12+$0x10430]  }
0x12f: {  	v6 =	vld [tilespmem:s12+$0x6400];
	v1 =	vshll.u32 v3, $0x5  }
0x130: {  	v5 =	vld [tilespmem:s12+$0x6410];
	v13 =	vshll.u32 v4, $0x5;
	v3 =	vadd.s32 v7, v1  }
0x131: {  	v4 =	vld [tilespmem:s12+$0x6420];
	v14 =	vshll.u32 v2, $0x5;
	v2 =	vadd.s32 v9, v13  }
0x132: {  	s15 =	simm.s32 $0x4;
	v9 =	vshll.u32 v12, $0x5;
	v1 =	vadd.s32 v10, v14;
	v7 =	vld [tilespmem:s12+$0x10400];
	[tilespmem:s11+$0x1A430] =	vst v11  }
.LBB2_10:
0x133: {  	s15 =	sadd.s32 $0x4, s15;
	v10 =	vld [tilespmem:s12+$0x10410];
	v8 =	vadd.s32 v8, v9  }
0x134: {  	s13 =	sadd.s32 $0x200, s13;
	s16 =	sshll.u32 s15, $0x4;
	p0 =	slt.u32 s15, $0x4FC;
	v6 =	vshll.u32 v6, $0x5;
	v9 =	vld [tilespmem:s12+$0x10420]  }
0x135: {  	s17 =	sand.u32 $0xC00, s13;
	s18 =	sshll.u32 s15, $0x2;
	s16 =	sand.u32 $0x7000, s16;
	v5 =	vshll.u32 v5, $0x5;
	v11 =	vld.idx.msk [tilespmem:v3+s3+$0x0], $0xffff  }
0x136: {  	s14 =	sadd.s32 $0x40, s14;
	s16 =	sor.u32 s17, s16;
	s17 =	sand.u32 $0x380, s18;
	v4 =	vshll.u32 v4, $0x5;
	v12 =	vld.idx.msk [tilespmem:v2+s3+$0x0], $0xffff  }
0x137: {  	s18 =	sand.u32 $0x40, s14;
	s16 =	sor.u32 s17, s16;
	v3 =	vadd.s32 v7, v6;
	v7 =	vld.idx.msk [tilespmem:v1+s3+$0x0], $0xffff  }
0x138: {  	s16 =	sor.u32 s18, s16;
	v2 =	vadd.s32 v10, v5;
	v10 =	vld.idx.msk [tilespmem:v8+s3+$0x0], $0xffff  }
0x139: {  	v13 =	vld [tilespmem:s16+$0x6430];
	v1 =	vadd.s32 v9, v4  }
.Ltmp4:
0x13a: {  	v8 =	vld [tilespmem:s16+$0x10430];
	(pc) =	sbr.rel @p0 .LBB2_10-.Ltmp4, $4  }
0x13b: {  	v6 =	vld [tilespmem:s16+$0x6400];
	[tilespmem:s11+$0x1A400] =	vst v11  }
0x13c: {  	v5 =	vld [tilespmem:s16+$0x6410];
	[tilespmem:s11+$0x1A410] =	vst v12  }
0x13d: {  	v4 =	vld [tilespmem:s16+$0x6420];
	[tilespmem:s11+$0x1A420] =	vst v7;
	s11 =	smov.u32 s12;
	s12 =	smov.u32 s16  }
0x13e: {  	v7 =	vld [tilespmem:s12+$0x10400];
	v9 =	vshll.u32 v13, $0x5;
	[tilespmem:s11+$0x1A430] =	vst v10  }
0x13f: {  	v10 =	vld [tilespmem:s12+$0x10410]  }
0x140: {  	v11 =	vld [tilespmem:s12+$0x10420];
	_ =	sdelay $0x1  }
0x141: {  	v8 =	vadd.s32 v8, v9;
	v6 =	vshll.u32 v6, $0x5  }
0x142: {  	v5 =	vshll.u32 v5, $0x5;
	v6 =	vadd.s32 v7, v6  }
0x143: {  	v3 =	vld.idx.msk [tilespmem:v3+s3+$0x0], $0xffff;
	v4 =	vshll.u32 v4, $0x5;
	v5 =	vadd.s32 v10, v5  }
0x144: {  	v2 =	vld.idx.msk [tilespmem:v2+s3+$0x0], $0xffff;
	v4 =	vadd.s32 v11, v4  }
0x145: {  	v1 =	vld.idx.msk [tilespmem:v1+s3+$0x0], $0xffff  }
0x146: {  	v7 =	vld.idx.msk [tilespmem:v8+s3+$0x0], $0xffff  }
0x147: {  	v6 =	vld.idx.msk [tilespmem:v6+s3+$0x0], $0xffff  }
0x148: {  	[tilespmem:s11+$0x1A400] =	vst v3;
	v3 =	vld.idx.msk [tilespmem:v5+s3+$0x0], $0xffff  }
0x149: {  	[tilespmem:s11+$0x1A410] =	vst v2;
	v2 =	vld.idx.msk [tilespmem:v4+s3+$0x0], $0xffff  }
0x14a: {  	[tilespmem:s11+$0x1A420] =	vst v1  }
0x14b: {  	[tilespmem:s12+$0x1A430] =	vst v7  }
0x14c: {  	[tilespmem:s12+$0x1A400] =	vst v6  }
0x14d: {  	[tilespmem:s12+$0x1A410] =	vst v3  }
0x14e: {  	[tilespmem:s12+$0x1A420] =	vst v2  }
0x14f: {  	s11 =	rddreg [dreg:$0x12]  }
0x150: {  	[hbm4b:s11+s3] =	stream.strided.scatter [tilespmem:s7], [sflag:$0x6], $0x5000, s29, s3, $0x38;
	[tilespmem:$0x1F400] =	vst v63  }
0x151: {  	s13 =	rddreg [dreg:$0x13]  }
0x152: {  	[tilespmem:s30], [sflag:$0x2] =	stream.strided.gather [hbm4b:s13+s3], $0x4000, s29, s3, $0x38;
	[tilespmem:$0x1F400] =	vst v63  }
0x153: {  	s14 =	rddreg [dreg:$0x14]  }
0x154: {  	[tilespmem:s31], [sflag:$0x4] =	stream.strided.gather [hbm4b:s14+s3], $0x4000, s29, s3, $0x38;
	[tilespmem:$0x1F400] =	vst v63  }
0x155: {  	_ =	swait.ge [sflag:s0], $0x5000  }
0x156: {  	[sflag:s0] =	ssyncset.done $0x0  }
0x157: {  	[sflag:s0] =	ssyncadd.s32 $0xFFFFB000  }
0x158: {  	s16 =	simm.s32 $0x0;
	_ =	swait.ge [sflag:s1], $0x5000  }
0x159: {  	s15 =	simm.s32 $0x0;
	s12 =	sand.u32 $0x7000, s16;
	[sflag:s1] =	ssyncset.done $0x0  }
0x15a: {  	s13 =	sand.u32 $0xC00, s15;
	s14 =	simm.s32 $0x0;
	[sflag:s1] =	ssyncadd.s32 $0xFFFFB000  }
0x15b: {  	s12 =	sor.u32 s13, s12;
	s17 =	sand.u32 $0x380, s14;
	_ =	swait.ge [sflag:s8], $0x5000  }
0x15c: {  	s11 =	sand.u32 $0x40, s15;
	s12 =	sor.u32 s17, s12;
	[sflag:s8] =	ssyncset.done $0x0  }
0x15d: {  	s11 =	sor.u32 s11, s12;
	[sflag:s8] =	ssyncadd.s32 $0xFFFFB000  }
0x15e: {  	v1 =	vld [tilespmem:s11+$0x1430]  }
0x15f: {  	v2 =	vld [tilespmem:s11+$0xB430];
	_ =	sdelay $0x2  }
0x160: {  	s18 =	simm.s32 $0x40;
	s13 =	simm.s32 $0x200;
	v3 =	vld [tilespmem:s11+$0x1400]  }
0x161: {  	s15 =	simm.s32 $0x10;
	s19 =	sand.u32 $0xC00, s13;
	s12 =	sand.u32 $0x7000, s18;
	v4 =	vld [tilespmem:s11+$0x1410];
	v1 =	vshll.u32 v1, $0x5  }
0x162: {  	s15 =	sand.u32 $0x380, s15;
	s14 =	simm.s32 $0x40;
	s12 =	sor.u32 s19, s12;
	v7 =	vld [tilespmem:s11+$0xB400];
	v1 =	vadd.s32 v2, v1  }
0x163: {  	s16 =	sand.u32 $0x40, s14;
	s12 =	sor.u32 s15, s12;
	v9 =	vld [tilespmem:s11+$0xB410]  }
0x164: {  	s12 =	sor.u32 s16, s12;
	v10 =	vld [tilespmem:s11+$0xB420]  }
0x165: {  	v12 =	vld [tilespmem:s12+$0x1430]  }
0x166: {  	v2 =	vld [tilespmem:s11+$0x1420]  }
0x167: {  	v11 =	vld.idx.msk [tilespmem:v1+s3+$0x0], $0xffff  }
0x168: {  	v8 =	vld [tilespmem:s12+$0xB430]  }
0x169: {  	v6 =	vld [tilespmem:s12+$0x1400];
	v1 =	vshll.u32 v3, $0x5  }
0x16a: {  	v5 =	vld [tilespmem:s12+$0x1410];
	v13 =	vshll.u32 v4, $0x5;
	v3 =	vadd.s32 v7, v1  }
0x16b: {  	v4 =	vld [tilespmem:s12+$0x1420];
	v14 =	vshll.u32 v2, $0x5;
	v2 =	vadd.s32 v9, v13  }
0x16c: {  	s15 =	simm.s32 $0x4;
	v9 =	vshll.u32 v12, $0x5;
	v1 =	vadd.s32 v10, v14;
	v7 =	vld [tilespmem:s12+$0xB400];
	[tilespmem:s11+$0x15430] =	vst v11  }
.LBB2_12:
0x16d: {  	s15 =	sadd.s32 $0x4, s15;
	v10 =	vld [tilespmem:s12+$0xB410];
	v8 =	vadd.s32 v8, v9  }
0x16e: {  	s13 =	sadd.s32 $0x200, s13;
	s16 =	sshll.u32 s15, $0x4;
	p0 =	slt.u32 s15, $0x4FC;
	v6 =	vshll.u32 v6, $0x5;
	v9 =	vld [tilespmem:s12+$0xB420]  }
0x16f: {  	s17 =	sand.u32 $0xC00, s13;
	s18 =	sshll.u32 s15, $0x2;
	s16 =	sand.u32 $0x7000, s16;
	v5 =	vshll.u32 v5, $0x5;
	v11 =	vld.idx.msk [tilespmem:v3+s3+$0x0], $0xffff  }
0x170: {  	s14 =	sadd.s32 $0x40, s14;
	s16 =	sor.u32 s17, s16;
	s17 =	sand.u32 $0x380, s18;
	v4 =	vshll.u32 v4, $0x5;
	v12 =	vld.idx.msk [tilespmem:v2+s3+$0x0], $0xffff  }
0x171: {  	s18 =	sand.u32 $0x40, s14;
	s16 =	sor.u32 s17, s16;
	v3 =	vadd.s32 v7, v6;
	v7 =	vld.idx.msk [tilespmem:v1+s3+$0x0], $0xffff  }
0x172: {  	s16 =	sor.u32 s18, s16;
	v2 =	vadd.s32 v10, v5;
	v10 =	vld.idx.msk [tilespmem:v8+s3+$0x0], $0xffff  }
0x173: {  	v13 =	vld [tilespmem:s16+$0x1430];
	v1 =	vadd.s32 v9, v4  }
.Ltmp5:
0x174: {  	v8 =	vld [tilespmem:s16+$0xB430];
	(pc) =	sbr.rel @p0 .LBB2_12-.Ltmp5, $4  }
0x175: {  	v6 =	vld [tilespmem:s16+$0x1400];
	[tilespmem:s11+$0x15400] =	vst v11  }
0x176: {  	v5 =	vld [tilespmem:s16+$0x1410];
	[tilespmem:s11+$0x15410] =	vst v12  }
0x177: {  	v4 =	vld [tilespmem:s16+$0x1420];
	[tilespmem:s11+$0x15420] =	vst v7;
	s11 =	smov.u32 s12;
	s12 =	smov.u32 s16  }
0x178: {  	v7 =	vld [tilespmem:s12+$0xB400];
	v9 =	vshll.u32 v13, $0x5;
	[tilespmem:s11+$0x15430] =	vst v10  }
0x179: {  	v10 =	vld [tilespmem:s12+$0xB410]  }
0x17a: {  	v11 =	vld [tilespmem:s12+$0xB420];
	_ =	sdelay $0x1  }
0x17b: {  	v8 =	vadd.s32 v8, v9;
	v6 =	vshll.u32 v6, $0x5  }
0x17c: {  	v5 =	vshll.u32 v5, $0x5;
	v6 =	vadd.s32 v7, v6  }
0x17d: {  	v3 =	vld.idx.msk [tilespmem:v3+s3+$0x0], $0xffff;
	v4 =	vshll.u32 v4, $0x5;
	v5 =	vadd.s32 v10, v5  }
0x17e: {  	v2 =	vld.idx.msk [tilespmem:v2+s3+$0x0], $0xffff;
	v4 =	vadd.s32 v11, v4  }
0x17f: {  	v1 =	vld.idx.msk [tilespmem:v1+s3+$0x0], $0xffff  }
0x180: {  	v7 =	vld.idx.msk [tilespmem:v8+s3+$0x0], $0xffff  }
0x181: {  	v6 =	vld.idx.msk [tilespmem:v6+s3+$0x0], $0xffff  }
0x182: {  	[tilespmem:s11+$0x15400] =	vst v3;
	v3 =	vld.idx.msk [tilespmem:v5+s3+$0x0], $0xffff  }
0x183: {  	[tilespmem:s11+$0x15410] =	vst v2;
	v2 =	vld.idx.msk [tilespmem:v4+s3+$0x0], $0xffff  }
0x184: {  	[tilespmem:s11+$0x15420] =	vst v1  }
0x185: {  	[tilespmem:s12+$0x15430] =	vst v7  }
0x186: {  	[tilespmem:s12+$0x15400] =	vst v6  }
0x187: {  	[tilespmem:s12+$0x15410] =	vst v3  }
0x188: {  	[tilespmem:s12+$0x15420] =	vst v2  }
0x189: {  	s11 =	rddreg [dreg:$0x15]  }
0x18a: {  	[hbm4b:s11+s3] =	stream.strided.scatter [tilespmem:s4], [sflag:$0x5], $0x5000, s29, s3, $0x38;
	[tilespmem:$0x1F400] =	vst v63  }
0x18b: {  	s15 =	simm.s32 $0x0  }
0x18c: {  	[tilespmem:s26], [sflag:$0x1] =	stream.linear.gather [hbm4b:s20+s15], $0x1000, $0x38;
	[tilespmem:$0x1F400] =	vst v63  }
0x18d: {  	_ = 	snop  }
0x18e: {  	[tilespmem:s28], [sflag:$0x3] =	stream.linear.gather [hbm4b:s21+s15], $0x1000, $0x38;
	[tilespmem:$0x1F400] =	vst v63  }
0x18f: {  	_ =	swait.ge [sflag:s5], $0x4000  }
0x190: {  	[sflag:s5] =	ssyncset.done $0x0  }
0x191: {  	[sflag:s5] =	ssyncadd.s32 $0xFFFFC000  }
0x192: {  	_ =	swait.ge [sflag:s6], $0x4000  }
0x193: {  	s16 =	simm.s32 $0x0;
	s14 =	simm.s32 $0x0;
	[sflag:s6] =	ssyncset.done $0x0  }
0x194: {  	s13 =	sand.u32 $0xC00, s15;
	s12 =	sand.u32 $0x3000, s16;
	[sflag:s6] =	ssyncadd.s32 $0xFFFFC000  }
0x195: {  	s17 =	sand.u32 $0x380, s14;
	s12 =	sor.u32 s13, s12;
	_ =	swait.ge [sflag:s9], $0x5000  }
0x196: {  	s11 =	sand.u32 $0x40, s15;
	s12 =	sor.u32 s17, s12;
	[sflag:s9] =	ssyncset.done $0x0  }
0x197: {  	s11 =	sor.u32 s11, s12;
	[sflag:s9] =	ssyncadd.s32 $0xFFFFB000  }
0x198: {  	v1 =	vld [tilespmem:s11+$0x6430]  }
0x199: {  	v2 =	vld [tilespmem:s11+$0x10430];
	_ =	sdelay $0x2  }
0x19a: {  	s18 =	simm.s32 $0x40;
	s13 =	simm.s32 $0x200;
	v3 =	vld [tilespmem:s11+$0x6400]  }
0x19b: {  	s19 =	sand.u32 $0xC00, s13;
	s12 =	sand.u32 $0x3000, s18;
	s15 =	simm.s32 $0x10;
	v4 =	vld [tilespmem:s11+$0x6410];
	v1 =	vshll.u32 v1, $0x5  }
0x19c: {  	s14 =	simm.s32 $0x40;
	s12 =	sor.u32 s19, s12;
	s15 =	sand.u32 $0x380, s15;
	v7 =	vld [tilespmem:s11+$0x10400];
	v1 =	vadd.s32 v2, v1  }
0x19d: {  	s16 =	sand.u32 $0x40, s14;
	s12 =	sor.u32 s15, s12;
	v9 =	vld [tilespmem:s11+$0x10410]  }
0x19e: {  	s12 =	sor.u32 s16, s12;
	v10 =	vld [tilespmem:s11+$0x10420]  }
0x19f: {  	v12 =	vld [tilespmem:s12+$0x6430]  }
0x1a0: {  	v2 =	vld [tilespmem:s11+$0x6420]  }
0x1a1: {  	v11 =	vld.idx.msk [tilespmem:v1+s3+$0x0], $0xffff  }
0x1a2: {  	v8 =	vld [tilespmem:s12+$0x10430]  }
0x1a3: {  	v6 =	vld [tilespmem:s12+$0x6400];
	v1 =	vshll.u32 v3, $0x5  }
0x1a4: {  	v5 =	vld [tilespmem:s12+$0x6410];
	v13 =	vshll.u32 v4, $0x5;
	v3 =	vadd.s32 v7, v1  }
0x1a5: {  	v4 =	vld [tilespmem:s12+$0x6420];
	v14 =	vshll.u32 v2, $0x5;
	v2 =	vadd.s32 v9, v13  }
0x1a6: {  	s15 =	simm.s32 $0x4;
	v9 =	vshll.u32 v12, $0x5;
	v1 =	vadd.s32 v10, v14;
	v7 =	vld [tilespmem:s12+$0x10400];
	[tilespmem:s11+$0x1A430] =	vst v11  }
.LBB2_14:
0x1a7: {  	s15 =	sadd.s32 $0x4, s15;
	v10 =	vld [tilespmem:s12+$0x10410];
	v8 =	vadd.s32 v8, v9  }
0x1a8: {  	s13 =	sadd.s32 $0x200, s13;
	s16 =	sshll.u32 s15, $0x4;
	p0 =	slt.u32 s15, $0x3FC;
	v6 =	vshll.u32 v6, $0x5;
	v9 =	vld [tilespmem:s12+$0x10420]  }
0x1a9: {  	s17 =	sand.u32 $0xC00, s13;
	s18 =	sshll.u32 s15, $0x2;
	s16 =	sand.u32 $0x3000, s16;
	v5 =	vshll.u32 v5, $0x5;
	v11 =	vld.idx.msk [tilespmem:v3+s3+$0x0], $0xffff  }
0x1aa: {  	s14 =	sadd.s32 $0x40, s14;
	s16 =	sor.u32 s17, s16;
	s17 =	sand.u32 $0x380, s18;
	v4 =	vshll.u32 v4, $0x5;
	v12 =	vld.idx.msk [tilespmem:v2+s3+$0x0], $0xffff  }
0x1ab: {  	s18 =	sand.u32 $0x40, s14;
	s16 =	sor.u32 s17, s16;
	v3 =	vadd.s32 v7, v6;
	v7 =	vld.idx.msk [tilespmem:v1+s3+$0x0], $0xffff  }
0x1ac: {  	s16 =	sor.u32 s18, s16;
	v2 =	vadd.s32 v10, v5;
	v10 =	vld.idx.msk [tilespmem:v8+s3+$0x0], $0xffff  }
0x1ad: {  	v13 =	vld [tilespmem:s16+$0x6430];
	v1 =	vadd.s32 v9, v4  }
.Ltmp6:
0x1ae: {  	v8 =	vld [tilespmem:s16+$0x10430];
	(pc) =	sbr.rel @p0 .LBB2_14-.Ltmp6, $4  }
0x1af: {  	v6 =	vld [tilespmem:s16+$0x6400];
	[tilespmem:s11+$0x1A400] =	vst v11  }
0x1b0: {  	v5 =	vld [tilespmem:s16+$0x6410];
	[tilespmem:s11+$0x1A410] =	vst v12  }
0x1b1: {  	v4 =	vld [tilespmem:s16+$0x6420];
	[tilespmem:s11+$0x1A420] =	vst v7;
	s11 =	smov.u32 s12;
	s12 =	smov.u32 s16  }
0x1b2: {  	v7 =	vld [tilespmem:s12+$0x10400];
	v9 =	vshll.u32 v13, $0x5;
	[tilespmem:s11+$0x1A430] =	vst v10  }
0x1b3: {  	v10 =	vld [tilespmem:s12+$0x10410]  }
0x1b4: {  	v11 =	vld [tilespmem:s12+$0x10420];
	_ =	sdelay $0x1  }
0x1b5: {  	v8 =	vadd.s32 v8, v9;
	v6 =	vshll.u32 v6, $0x5  }
0x1b6: {  	v5 =	vshll.u32 v5, $0x5;
	v6 =	vadd.s32 v7, v6  }
0x1b7: {  	v3 =	vld.idx.msk [tilespmem:v3+s3+$0x0], $0xffff;
	v4 =	vshll.u32 v4, $0x5;
	v5 =	vadd.s32 v10, v5  }
0x1b8: {  	v2 =	vld.idx.msk [tilespmem:v2+s3+$0x0], $0xffff;
	v4 =	vadd.s32 v11, v4  }
0x1b9: {  	v1 =	vld.idx.msk [tilespmem:v1+s3+$0x0], $0xffff  }
0x1ba: {  	v7 =	vld.idx.msk [tilespmem:v8+s3+$0x0], $0xffff  }
0x1bb: {  	v6 =	vld.idx.msk [tilespmem:v6+s3+$0x0], $0xffff  }
0x1bc: {  	[tilespmem:s11+$0x1A400] =	vst v3;
	v3 =	vld.idx.msk [tilespmem:v5+s3+$0x0], $0xffff  }
0x1bd: {  	[tilespmem:s11+$0x1A410] =	vst v2;
	v2 =	vld.idx.msk [tilespmem:v4+s3+$0x0], $0xffff  }
0x1be: {  	[tilespmem:s11+$0x1A420] =	vst v1  }
0x1bf: {  	[tilespmem:s12+$0x1A430] =	vst v7  }
0x1c0: {  	[tilespmem:s12+$0x1A400] =	vst v6  }
0x1c1: {  	[tilespmem:s12+$0x1A410] =	vst v3  }
0x1c2: {  	[tilespmem:s12+$0x1A420] =	vst v2  }
0x1c3: {  	[hbm4b:s23+s3] =	stream.strided.scatter [tilespmem:s7], [sflag:$0x6], $0x4000, s29, s3, $0x38;
	[tilespmem:$0x1F400] =	vst v63  }
0x1c4: {  	_ =	swait.ge [sflag:s0], $0x1000  }
0x1c5: {  	[sflag:s0] =	ssyncset.done $0x0  }
0x1c6: {  	[sflag:s0] =	ssyncadd.s32 $0xFFFFF000  }
0x1c7: {  	_ =	swait.ge [sflag:s1], $0x1000  }
0x1c8: {  	[sflag:s1] =	ssyncset.done $0x0  }
0x1c9: {  	s16 =	simm.s32 $0x0;
	[sflag:s1] =	ssyncadd.s32 $0xFFFFF000  }
0x1ca: {  	s17 =	sand.u32 $0xC00, s16;
	s13 =	sand.u32 $0x380, s16;
	_ =	swait.ge [sflag:s8], $0x5000  }
0x1cb: {  	s11 =	sand.u32 $0x40, s16;
	s12 =	sor.u32 s13, s17;
	[sflag:s8] =	ssyncset.done $0x0  }
0x1cc: {  	s11 =	sor.u32 s11, s12;
	[sflag:s8] =	ssyncadd.s32 $0xFFFFB000  }
0x1cd: {  	v1 =	vld [tilespmem:s11+$0x1430]  }
0x1ce: {  	v2 =	vld [tilespmem:s11+$0xB430]  }
0x1cf: {  	v3 =	vld [tilespmem:s11+$0x1400]  }
0x1d0: {  	s18 =	simm.s32 $0x200;
	s19 =	simm.s32 $0x10;
	v5 =	vld [tilespmem:s11+$0x1410]  }
0x1d1: {  	s14 =	simm.s32 $0x40;
	s13 =	sand.u32 $0x380, s19;
	s12 =	sand.u32 $0xC00, s18;
	v4 =	vld [tilespmem:s11+$0xB400]  }
0x1d2: {  	s14 =	sand.u32 $0x40, s14;
	s12 =	sor.u32 s13, s12;
	v6 =	vld [tilespmem:s11+$0xB410];
	v1 =	vshll.u32 v1, $0x5  }
0x1d3: {  	s12 =	sor.u32 s14, s12;
	v7 =	vld [tilespmem:s11+$0xB420];
	v1 =	vadd.s32 v2, v1  }
0x1d4: {  	v9 =	vld [tilespmem:s12+$0x1430]  }
0x1d5: {  	v2 =	vld [tilespmem:s11+$0x1420]  }
0x1d6: {  	v10 =	vld [tilespmem:s12+$0xB430]  }
0x1d7: {  	v11 =	vld [tilespmem:s12+$0x1400]  }
0x1d8: {  	v8 =	vld.idx.msk [tilespmem:v1+s3+$0x0], $0xffff;
	v1 =	vshll.u32 v3, $0x5  }
0x1d9: {  	v13 =	vld [tilespmem:s12+$0x1410];
	v12 =	vadd.s32 v4, v1;
	v1 =	vshll.u32 v5, $0x5  }
0x1da: {  	v3 =	vld [tilespmem:s12+$0x1420];
	v14 =	vshll.u32 v2, $0x5;
	v2 =	vadd.s32 v6, v1  }
0x1db: {  	v4 =	vld [tilespmem:s12+$0xB400];
	v1 =	vadd.s32 v7, v14;
	v6 =	vshll.u32 v9, $0x5  }
0x1dc: {  	v5 =	vld [tilespmem:s12+$0xB410];
	v6 =	vadd.s32 v10, v6  }
0x1dd: {  	s15 =	simm.s32 $0x400;
	v7 =	vld [tilespmem:s12+$0xB420]  }
0x1de: {  	s16 =	simm.s32 $0x20;
	s13 =	simm.s32 $0x4;
	s14 =	simm.s32 $0x80;
	v9 =	vshll.u32 v13, $0x5;
	v10 =	vshll.u32 v11, $0x5;
	[tilespmem:s11+$0x15430] =	vst v8;
	v8 =	vld.idx.msk [tilespmem:v12+s3+$0x0], $0xffff  }
.LBB2_16:
0x1df: {  	s17 =	sand.u32 $0xC00, s15;
	s18 =	sand.u32 $0x380, s16;
	s13 =	sadd.s32 $0x4, s13;
	v3 =	vshll.u32 v3, $0x5;
	v11 =	vld.idx.msk [tilespmem:v2+s3+$0x0], $0xffff  }
0x1e0: {  	s19 =	sand.u32 $0x40, s14;
	s17 =	sor.u32 s18, s17;
	p0 =	slt.u32 s13, $0xFC;
	v12 =	vadd.s32 v4, v10;
	v4 =	vld.idx.msk [tilespmem:v1+s3+$0x0], $0xffff  }
0x1e1: {  	s17 =	sor.u32 s19, s17;
	v2 =	vadd.s32 v5, v9;
	v5 =	vld.idx.msk [tilespmem:v6+s3+$0x0], $0xffff  }
0x1e2: {  	v6 =	vld [tilespmem:s17+$0x1430];
	v1 =	vadd.s32 v7, v3  }
0x1e3: {  	v7 =	vld [tilespmem:s17+$0xB430]  }
0x1e4: {  	v9 =	vld [tilespmem:s17+$0x1400];
	[tilespmem:s11+$0x15400] =	vst v8  }
0x1e5: {  	v8 =	vld [tilespmem:s17+$0x1410];
	[tilespmem:s11+$0x15410] =	vst v11  }
.Ltmp7:
0x1e6: {  	v3 =	vld [tilespmem:s17+$0x1420];
	[tilespmem:s11+$0x15420] =	vst v4;
	s11 =	smov.u32 s12;
	s12 =	smov.u32 s17;
	(pc) =	sbr.rel @p0 .LBB2_16-.Ltmp7, $4  }
0x1e7: {  	v4 =	vld [tilespmem:s12+$0xB400];
	v6 =	vshll.u32 v6, $0x5;
	[tilespmem:s11+$0x15430] =	vst v5  }
0x1e8: {  	v5 =	vld [tilespmem:s12+$0xB410];
	v6 =	vadd.s32 v7, v6  }
0x1e9: {  	v10 =	vshll.u32 v9, $0x5;
	v7 =	vld [tilespmem:s12+$0xB420]  }
0x1ea: {  	s14 =	sadd.s32 $0x40, s14;
	s15 =	sadd.s32 $0x200, s15;
	s16 =	sadd.s32 $0x10, s16;
	v9 =	vshll.u32 v8, $0x5;
	v8 =	vld.idx.msk [tilespmem:v12+s3+$0x0], $0xffff  }
0x1eb: {  	_ =	sdelay $0x1  }
0x1ec: {  	v4 =	vadd.s32 v4, v10  }
0x1ed: {  	v3 =	vshll.u32 v3, $0x5;
	v5 =	vadd.s32 v5, v9  }
0x1ee: {  	v2 =	vld.idx.msk [tilespmem:v2+s3+$0x0], $0xffff;
	v3 =	vadd.s32 v7, v3  }
0x1ef: {  	v1 =	vld.idx.msk [tilespmem:v1+s3+$0x0], $0xffff  }
0x1f0: {  	v6 =	vld.idx.msk [tilespmem:v6+s3+$0x0], $0xffff  }
0x1f1: {  	v4 =	vld.idx.msk [tilespmem:v4+s3+$0x0], $0xffff  }
0x1f2: {  	[tilespmem:s11+$0x15400] =	vst v8;
	v5 =	vld.idx.msk [tilespmem:v5+s3+$0x0], $0xffff  }
0x1f3: {  	[tilespmem:s11+$0x15410] =	vst v2;
	v2 =	vld.idx.msk [tilespmem:v3+s3+$0x0], $0xffff  }
0x1f4: {  	[tilespmem:s11+$0x15420] =	vst v1  }
0x1f5: {  	[tilespmem:s12+$0x15430] =	vst v6  }
0x1f6: {  	[tilespmem:s12+$0x15400] =	vst v4  }
0x1f7: {  	[tilespmem:s12+$0x15410] =	vst v5  }
0x1f8: {  	s10 =	sadd.s32 $0x1, s10;
	[tilespmem:s12+$0x15420] =	vst v2  }
0x1f9: {  	[hbm4b:s24+s22] =	stream.linear.scatter [tilespmem:s4], [sflag:$0x5], $0x1000, $0x38;
	[tilespmem:$0x1F400] =	vst v63  }
0x1fa: {  	p0 =	sne.s32 s10, s25;
	_ =	swait.ge [sflag:s9], $0x4000  }
.Ltmp8:
0x1fb: {  	[sflag:s9] =	ssyncset.done $0x0;
	(pc) =	sbr.rel @p0 .LBB2_1-.Ltmp8, $4  }
0x1fc: {  	[sflag:s9] =	ssyncadd.s32 $0xFFFFC000  }
0x1fd: {  	_ =	swait.ge [sflag:s8], $0x1000  }
0x1fe: {  	[sflag:s8] =	ssyncset.done $0x0  }
0x1ff: {  	[sflag:s8] =	ssyncadd.s32 $0xFFFFF000  }
0x200: {  	_ =	sfence.sel $0x180000  }
0x201: {  	[bflag:$0x0] =	sbarrier.arrive $0xFFFF  }
0x202: {  	_ =	strace $0x90000047  }
0x203: {  	s0 =	stileid.u32;
	[bflag:$0x2] =	sbarrier.arrive $0xFFFF  }
0x204: {  	p0 =	sne.s32 s0, $0x0;
	s0 =	rddreg [dreg:$0x4]  }
0x205: {  	s0 =	sadd.s32 @!p0 $0x100000, s0  }
0x206: {  	[sflag:s0] =	ssyncadd.tile.s32 @!p0 $0x1;
	_ =	shalt  }
.Lfunc_end2:
_tile_overlayer_lowered:
.L_overlay_start_2:
0x207: {  	(tag) =	ssettag $0x2  }
0x208: {  	s0 =	rddreg [dreg:$0x0];
	s2 =	stileid.u32  }
0x209: {  	s1 =	rddreg [dreg:$0x1];
	p0 =	sne.s32 s2, $0x0  }
0x20a: {  	s3 =	rddreg [dreg:$0x2];
	[bflag:$0x3] =	sbarrier.arrive $0xFFFF;
	s2 =	simm.s32 @!p0 $0x1C07  }
0x20b: {  	[timem:s3], [sflag:s2] =	dma.local @!p0 [hbm:s0], s1  }
0x20c: {  	s0 =	simm.s32 @!p0 $0x7  }
0x20d: {  	_ =	swait.ge @!p0 [sflag:s0], s1  }
0x20e: {  	s1 =	ssub.s32 @!p0 $0x0, s1;
	[sflag:s0] =	ssyncset.done @!p0 $0x0  }
0x20f: {  	[sflag:s0] =	ssyncadd.s32 @!p0 s1  }
0x210: {  	[bflag:$0x3] =	sbarrier.arrive $0xFFFF  }
0x211: {  	_ =	shalt  }

</sc_bundles>
